<compile_context>
chip_gen: v7x
topology: tpu7x:2x2x1
jax: 0.10.2.dev20260603
libtpu: 0.0.44.dev20260713+nightly
codegen_flags: <defaults>
</compile_context>

<pallas_src>
import functools

import jax
import jax.numpy as jnp
from jax import lax
from jax.experimental import pallas as pl
from jax.experimental.pallas import tpu as pltpu
from jax.experimental.pallas import tpu_sc as plsc

B = 1024
L = 1024
VOCAB = 100
EMB = 100
HALF = EMB // 2
W32 = EMB // 2

GL = 128
NW = 32
ROWS = B * L
CHUNK = 1024
IDX_ROWS = CHUNK // 128


def _prep_body(inp_rows, inp_cols, table_ref, w_ref, b_ref, bt_ref, fidx_ref):
    i = pl.program_id(0)
    x = inp_rows[...].astype(jnp.float32).astype(jnp.bfloat16)
    d = jnp.dot(x, w_ref[...], preferred_element_type=jnp.float32)
    d = d.astype(jnp.bfloat16) + b_ref[...]
    t16 = table_ref[...].astype(jnp.bfloat16)
    s = t16[:, None, :] + d[None, :, :]
    u1 = lax.bitcast_convert_type(s[..., :HALF], jnp.uint16).astype(jnp.uint32)
    u2 = lax.bitcast_convert_type(s[..., HALF:], jnp.uint16).astype(jnp.uint32)
    bt_ref[...] = lax.bitcast_convert_type(u1 | (u2 << 16), jnp.int32)
    l_iota = i * GL + lax.broadcasted_iota(jnp.int32, (B, GL), 1)
    fidx_ref[...] = inp_cols[...] * L + l_iota


def _prep(inputs, table, W, b2):
    return pl.pallas_call(
        _prep_body,
        grid=(L // GL,),
        in_specs=[
            pl.BlockSpec((GL, L), lambda i: (i, 0)),
            pl.BlockSpec((B, GL), lambda i: (0, i)),
            pl.BlockSpec((VOCAB, EMB), lambda i: (0, 0)),
            pl.BlockSpec((L, EMB), lambda i: (0, 0)),
            pl.BlockSpec((1, EMB), lambda i: (0, 0)),
        ],
        out_specs=[
            pl.BlockSpec((VOCAB, GL, W32), lambda i: (0, i, 0)),
            pl.BlockSpec((B, GL), lambda i: (0, i)),
        ],
        out_shape=[
            jax.ShapeDtypeStruct((VOCAB, L, W32), jnp.int32),
            jax.ShapeDtypeStruct((B, L), jnp.int32),
        ],
    )(inputs, inputs, table, W, b2)


_sc_mesh = plsc.VectorSubcoreMesh(core_axis_name="c", subcore_axis_name="s")


@functools.partial(
    pl.kernel,
    mesh=_sc_mesh,
    out_type=jax.ShapeDtypeStruct((B, IDX_ROWS, 128, W32), jnp.int32),
    scratch_types=[
        pltpu.VMEM((IDX_ROWS, 128), jnp.int32),
        pltpu.VMEM((IDX_ROWS, 128, W32), jnp.int32),
        pltpu.SemaphoreType.DMA,
    ],
    compiler_params=pltpu.CompilerParams(use_tc_tiling_on_sc=False),
)
def _sc_gather(bt_hbm, fidx_hbm, out_hbm, idx_v, rows_v, sem):
    wid = lax.axis_index("s") * 2 + lax.axis_index("c")
    chunks_per_w = B // NW

    def body(c, carry):
        chunk = wid * chunks_per_w + c
        pltpu.sync_copy(fidx_hbm.at[pl.ds(chunk * IDX_ROWS, IDX_ROWS)], idx_v)
        handles = [
            pltpu.async_copy(bt_hbm.at[idx_v.at[j]], rows_v.at[j], sem)
            for j in range(IDX_ROWS)
        ]
        for h in handles:
            h.wait()
        pltpu.sync_copy(rows_v, out_hbm.at[chunk])
        return carry

    lax.fori_loop(0, chunks_per_w, body, 0)


BB = 16


def _epi_body(z_ref, o_ref):
    z = z_ref[...]
    lo = lax.bitcast_convert_type(z << 16, jnp.float32).astype(jnp.bfloat16)
    hi = lax.bitcast_convert_type(
        z & jnp.int32(-65536), jnp.float32
    ).astype(jnp.bfloat16)
    o_ref[...] = jnp.concatenate([lo, hi], axis=-1)


def _epilogue(z):
    return pl.pallas_call(
        _epi_body,
        grid=(B // BB,),
        in_specs=[pl.BlockSpec((BB, IDX_ROWS, 128, W32), lambda i: (i, 0, 0, 0))],
        out_specs=pl.BlockSpec((BB, IDX_ROWS, 128, EMB), lambda i: (i, 0, 0, 0)),
        out_shape=jax.ShapeDtypeStruct((B, IDX_ROWS, 128, EMB), jnp.bfloat16),
    )(z)


def kernel(inputs, table, W, b):
    btp, fidx = _prep(inputs, table, W, b.reshape(1, EMB))
    bt_i32 = btp.reshape(VOCAB * L, W32)
    fidx3 = fidx.reshape(ROWS // 128, 128)
    z = _sc_gather(bt_i32, fidx3)
    return _epilogue(z).reshape(B, L, EMB)

# --- scband reference (transcript-rebuilt; emitter-appended) ---
"""Pipeline reference for scband-my-model-87522843558882 (READ-ONLY COPY).

The authoritative reference and input builder live on the scoring server;
editing this copy changes nothing except your own understanding.
"""

import jax, jax.numpy as jnp
import numpy as np

B = 1024
L = 1024
VOCAB = 100
EMB_DIM = 100
UNITS = 100


def setup_inputs(seed: int = 0) -> dict:
    key = jax.random.key(seed)
    k1, k2, k3 = jax.random.split(key, 3)
    inputs = jax.random.randint(k1, (B, L), 0, VOCAB, dtype=jnp.int32)
    # Embedding table: created with dtype=tf.float32 explicitly in the original model
    table = jax.random.normal(k2, (VOCAB, EMB_DIM), dtype=jnp.float32) * 0.05
    # Dense layer was constructed with dtype=policy.compute_dtype ('bfloat16'),
    # which overrides the mixed policy -> both variables and compute are bfloat16.
    W = (jax.random.normal(k3, (L, UNITS), dtype=jnp.float32) * 0.05).astype(jnp.bfloat16)
    b = jnp.zeros((UNITS,), dtype=jnp.bfloat16)
    return {"inputs": inputs, "table": table, "W": W, "b": b}


def reference(inputs, table, W, b):
    # emb_out = self.embedding(inputs)  (float32 gather)
    emb_out = jnp.take(table, inputs, axis=0)  # [B, L, EMB_DIM] float32
    # emb_out_cast = tf.cast(emb_out, self.dense.dtype)  -> bfloat16
    emb_out_cast = emb_out.astype(jnp.bfloat16)
    # dense_out = self.dense(tf.cast(inputs, tf.float32))
    # Dense with dtype=bfloat16 casts its input to bfloat16 before the matmul.
    x = inputs.astype(jnp.float32).astype(jnp.bfloat16)  # [B, L]
    dense_out = x @ W + b  # [B, UNITS] bfloat16
    # Broadcast add: [B, L, EMB_DIM] + [B, UNITS]; valid because L == B and EMB_DIM == UNITS
    return emb_out_cast + dense_out

if __name__ == "__main__":
    import jax
    _d = setup_inputs()
    print(jax.jit(kernel)(*tuple(_d.values())))

</pallas_src>

<mosaic_0001>
#map = affine_map<(d0, d1) -> (0, 0)>
#map1 = affine_map<(d0, d1) -> (0, 0, 0, 0)>
module attributes {stable_mosaic.version = 14 : i64} {
  func.func @_sc_gather(%arg0: i32, %arg1: i32, %arg2: memref<102400x50xi32, #tpu.memory_space<hbm>>, %arg3: memref<8192x128xi32, #tpu.memory_space<hbm>>, %arg4: memref<1024x8x128x50xi32, #tpu.memory_space<hbm>>, %arg5: memref<8x128xi32, #tpu.memory_space<vmem>>, %arg6: memref<8x128x50xi32, #tpu.memory_space<vmem>>, %arg7: memref<!tpu.dma_semaphore, #tpu.memory_space<semaphore_mem>>) attributes {dimension_semantics = [#tpu.dimension_semantics<core_parallel>, #tpu.dimension_semantics<subcore_parallel>], iteration_bounds = array<i64: 2, 16>, scalar_prefetch = 0 : i64, scratch_operands = 3 : i64, tpu.core_type = #tpu.core_type<sc_vector_subcore>, window_params = [{transform_indices = #map}, {transform_indices = #map}, {transform_indices = #map1}]} {
    %mul3A = arith.constant 2 : i32
    %mul3A_0 = arith.muli %arg1, %mul3A : i32
    %add3A = arith.addi %mul3A_0, %arg0 : i32
    %scan3A = arith.constant 0 : i32
    %scan3A_1 = arith.constant 0 : i32
    %scan3A_2 = arith.constant 32 : i32
    %scan3A_3 = arith.addi %scan3A_1, %scan3A_2 : i32
    %scan3A_4 = arith.constant 1 : i32
    scf.for %scan3A_6 = %scan3A_1 to %scan3A_3 step %scan3A_4  : i32 {
      %mul3A_7 = arith.constant 32 : i32
      %mul3A_8 = arith.muli %add3A, %mul3A_7 : i32
      %add3A_9 = arith.addi %mul3A_8, %scan3A_6 : i32
      %mul3A_10 = arith.constant 8 : i32
      %mul3A_11 = arith.muli %add3A_9, %mul3A_10 : i32
      "tpu.region"() ({
        %run_scoped3A = tpu.sem_alloc : memref<!tpu.dma_semaphore, #tpu.memory_space<semaphore_mem>>
        %dma_start3A_202 = arith.constant 0 : i32
        %dma_start3A_203 = tpu.memref_slice %arg3[%mul3A_11, %dma_start3A_202] : memref<8192x128xi32, #tpu.memory_space<hbm>> -> memref<8x128xi32, #tpu.memory_space<hbm>>
        %dma_start3A_204 = arith.constant 0 : i32
        %dma_start3A_205 = tpu.memref_slice %arg3[%mul3A_11, %dma_start3A_204] : memref<8192x128xi32, #tpu.memory_space<hbm>> -> memref<8x128xi32, #tpu.memory_space<hbm>>
        tpu.enqueue_dma source(%dma_start3A_205 : memref<8x128xi32, #tpu.memory_space<hbm>>) target(%arg5 : memref<8x128xi32, #tpu.memory_space<vmem>>) target_semaphore(%run_scoped3A : memref<!tpu.dma_semaphore, #tpu.memory_space<semaphore_mem>>)
        %dma_wait3A_206 = arith.constant 0 : i32
        %dma_wait3A_207 = tpu.memref_slice %arg3[%mul3A_11, %dma_wait3A_206] : memref<8192x128xi32, #tpu.memory_space<hbm>> -> memref<8x128xi32, #tpu.memory_space<hbm>>
        %dma_wait3A_208 = arith.constant 0 : i32
        %dma_wait3A_209 = tpu.memref_slice %arg3[%mul3A_11, %dma_wait3A_208] : memref<8192x128xi32, #tpu.memory_space<hbm>> -> memref<8x128xi32, #tpu.memory_space<hbm>>
        tpu.wait_dma2 semaphore(%run_scoped3A : memref<!tpu.dma_semaphore, #tpu.memory_space<semaphore_mem>>) src(%dma_wait3A_209 : memref<8x128xi32, #tpu.memory_space<hbm>>) dst(%arg5 : memref<8x128xi32, #tpu.memory_space<vmem>>)
        tpu.yield
      }) : () -> ()
      %dma_start3A = arith.constant 0 : i32
      %dma_start3A_12 = arith.constant 0 : i32
      %dma_start3A_13 = arith.constant 0 : i32
      %dma_start3A_14 = arith.constant 0 : i32
      %dma_start3A_15 = tpu.memref_slice %arg6[%dma_start3A_12, %dma_start3A_13, %dma_start3A_14] : memref<8x128x50xi32, #tpu.memory_space<vmem>> -> memref<1x128x50xi32, #tpu.memory_space<vmem>>
      %dma_start3A_16 = tpu.memref_squeeze %dma_start3A_15 : memref<1x128x50xi32, #tpu.memory_space<vmem>> -> memref<128x50xi32, #tpu.memory_space<vmem>>
      %dma_start3A_17 = arith.constant 0 : i32
      %dma_start3A_18 = tpu.memref_slice %arg5[%dma_start3A, %dma_start3A_17] : memref<8x128xi32, #tpu.memory_space<vmem>> -> memref<1x128xi32, #tpu.memory_space<vmem>>
      %dma_start3A_19 = tpu.memref_squeeze %dma_start3A_18 : memref<1x128xi32, #tpu.memory_space<vmem>> -> memref<128xi32, #tpu.memory_space<vmem>>
      %dma_start3A_20 = arith.constant 0 : i32
      %dma_start3A_21 = arith.constant 0 : i32
      %dma_start3A_22 = tpu.memref_slice %arg2[%dma_start3A_20, %dma_start3A_21] : memref<102400x50xi32, #tpu.memory_space<hbm>> -> memref<102400x50xi32, #tpu.memory_space<hbm>>
      tpu.enqueue_indirect_dma source(%dma_start3A_22 : memref<102400x50xi32, #tpu.memory_space<hbm>>) target(%dma_start3A_16 : memref<128x50xi32, #tpu.memory_space<vmem>>) offsets(%dma_start3A_19 : memref<128xi32, #tpu.memory_space<vmem>>) semaphore(%arg7 : memref<!tpu.dma_semaphore, #tpu.memory_space<semaphore_mem>>)
      %dma_start3A_23 = arith.constant 1 : i32
      %dma_start3A_24 = arith.constant 1 : i32
      %dma_start3A_25 = arith.constant 0 : i32
      %dma_start3A_26 = arith.constant 0 : i32
      %dma_start3A_27 = tpu.memref_slice %arg6[%dma_start3A_24, %dma_start3A_25, %dma_start3A_26] : memref<8x128x50xi32, #tpu.memory_space<vmem>> -> memref<1x128x50xi32, #tpu.memory_space<vmem>>
      %dma_start3A_28 = tpu.memref_squeeze %dma_start3A_27 : memref<1x128x50xi32, #tpu.memory_space<vmem>> -> memref<128x50xi32, #tpu.memory_space<vmem>>
      %dma_start3A_29 = arith.constant 0 : i32
      %dma_start3A_30 = tpu.memref_slice %arg5[%dma_start3A_23, %dma_start3A_29] : memref<8x128xi32, #tpu.memory_space<vmem>> -> memref<1x128xi32, #tpu.memory_space<vmem>>
      %dma_start3A_31 = tpu.memref_squeeze %dma_start3A_30 : memref<1x128xi32, #tpu.memory_space<vmem>> -> memref<128xi32, #tpu.memory_space<vmem>>
      %dma_start3A_32 = arith.constant 0 : i32
      %dma_start3A_33 = arith.constant 0 : i32
      %dma_start3A_34 = tpu.memref_slice %arg2[%dma_start3A_32, %dma_start3A_33] : memref<102400x50xi32, #tpu.memory_space<hbm>> -> memref<102400x50xi32, #tpu.memory_space<hbm>>
      tpu.enqueue_indirect_dma source(%dma_start3A_34 : memref<102400x50xi32, #tpu.memory_space<hbm>>) target(%dma_start3A_28 : memref<128x50xi32, #tpu.memory_space<vmem>>) offsets(%dma_start3A_31 : memref<128xi32, #tpu.memory_space<vmem>>) semaphore(%arg7 : memref<!tpu.dma_semaphore, #tpu.memory_space<semaphore_mem>>)
      %dma_start3A_35 = arith.constant 2 : i32
      %dma_start3A_36 = arith.constant 2 : i32
      %dma_start3A_37 = arith.constant 0 : i32
      %dma_start3A_38 = arith.constant 0 : i32
      %dma_start3A_39 = tpu.memref_slice %arg6[%dma_start3A_36, %dma_start3A_37, %dma_start3A_38] : memref<8x128x50xi32, #tpu.memory_space<vmem>> -> memref<1x128x50xi32, #tpu.memory_space<vmem>>
      %dma_start3A_40 = tpu.memref_squeeze %dma_start3A_39 : memref<1x128x50xi32, #tpu.memory_space<vmem>> -> memref<128x50xi32, #tpu.memory_space<vmem>>
      %dma_start3A_41 = arith.constant 0 : i32
      %dma_start3A_42 = tpu.memref_slice %arg5[%dma_start3A_35, %dma_start3A_41] : memref<8x128xi32, #tpu.memory_space<vmem>> -> memref<1x128xi32, #tpu.memory_space<vmem>>
      %dma_start3A_43 = tpu.memref_squeeze %dma_start3A_42 : memref<1x128xi32, #tpu.memory_space<vmem>> -> memref<128xi32, #tpu.memory_space<vmem>>
      %dma_start3A_44 = arith.constant 0 : i32
      %dma_start3A_45 = arith.constant 0 : i32
      %dma_start3A_46 = tpu.memref_slice %arg2[%dma_start3A_44, %dma_start3A_45] : memref<102400x50xi32, #tpu.memory_space<hbm>> -> memref<102400x50xi32, #tpu.memory_space<hbm>>
      tpu.enqueue_indirect_dma source(%dma_start3A_46 : memref<102400x50xi32, #tpu.memory_space<hbm>>) target(%dma_start3A_40 : memref<128x50xi32, #tpu.memory_space<vmem>>) offsets(%dma_start3A_43 : memref<128xi32, #tpu.memory_space<vmem>>) semaphore(%arg7 : memref<!tpu.dma_semaphore, #tpu.memory_space<semaphore_mem>>)
      %dma_start3A_47 = arith.constant 3 : i32
      %dma_start3A_48 = arith.constant 3 : i32
      %dma_start3A_49 = arith.constant 0 : i32
      %dma_start3A_50 = arith.constant 0 : i32
      %dma_start3A_51 = tpu.memref_slice %arg6[%dma_start3A_48, %dma_start3A_49, %dma_start3A_50] : memref<8x128x50xi32, #tpu.memory_space<vmem>> -> memref<1x128x50xi32, #tpu.memory_space<vmem>>
      %dma_start3A_52 = tpu.memref_squeeze %dma_start3A_51 : memref<1x128x50xi32, #tpu.memory_space<vmem>> -> memref<128x50xi32, #tpu.memory_space<vmem>>
      %dma_start3A_53 = arith.constant 0 : i32
      %dma_start3A_54 = tpu.memref_slice %arg5[%dma_start3A_47, %dma_start3A_53] : memref<8x128xi32, #tpu.memory_space<vmem>> -> memref<1x128xi32, #tpu.memory_space<vmem>>
      %dma_start3A_55 = tpu.memref_squeeze %dma_start3A_54 : memref<1x128xi32, #tpu.memory_space<vmem>> -> memref<128xi32, #tpu.memory_space<vmem>>
      %dma_start3A_56 = arith.constant 0 : i32
      %dma_start3A_57 = arith.constant 0 : i32
      %dma_start3A_58 = tpu.memref_slice %arg2[%dma_start3A_56, %dma_start3A_57] : memref<102400x50xi32, #tpu.memory_space<hbm>> -> memref<102400x50xi32, #tpu.memory_space<hbm>>
      tpu.enqueue_indirect_dma source(%dma_start3A_58 : memref<102400x50xi32, #tpu.memory_space<hbm>>) target(%dma_start3A_52 : memref<128x50xi32, #tpu.memory_space<vmem>>) offsets(%dma_start3A_55 : memref<128xi32, #tpu.memory_space<vmem>>) semaphore(%arg7 : memref<!tpu.dma_semaphore, #tpu.memory_space<semaphore_mem>>)
      %dma_start3A_59 = arith.constant 4 : i32
      %dma_start3A_60 = arith.constant 4 : i32
      %dma_start3A_61 = arith.constant 0 : i32
      %dma_start3A_62 = arith.constant 0 : i32
      %dma_start3A_63 = tpu.memref_slice %arg6[%dma_start3A_60, %dma_start3A_61, %dma_start3A_62] : memref<8x128x50xi32, #tpu.memory_space<vmem>> -> memref<1x128x50xi32, #tpu.memory_space<vmem>>
      %dma_start3A_64 = tpu.memref_squeeze %dma_start3A_63 : memref<1x128x50xi32, #tpu.memory_space<vmem>> -> memref<128x50xi32, #tpu.memory_space<vmem>>
      %dma_start3A_65 = arith.constant 0 : i32
      %dma_start3A_66 = tpu.memref_slice %arg5[%dma_start3A_59, %dma_start3A_65] : memref<8x128xi32, #tpu.memory_space<vmem>> -> memref<1x128xi32, #tpu.memory_space<vmem>>
      %dma_start3A_67 = tpu.memref_squeeze %dma_start3A_66 : memref<1x128xi32, #tpu.memory_space<vmem>> -> memref<128xi32, #tpu.memory_space<vmem>>
      %dma_start3A_68 = arith.constant 0 : i32
      %dma_start3A_69 = arith.constant 0 : i32
      %dma_start3A_70 = tpu.memref_slice %arg2[%dma_start3A_68, %dma_start3A_69] : memref<102400x50xi32, #tpu.memory_space<hbm>> -> memref<102400x50xi32, #tpu.memory_space<hbm>>
      tpu.enqueue_indirect_dma source(%dma_start3A_70 : memref<102400x50xi32, #tpu.memory_space<hbm>>) target(%dma_start3A_64 : memref<128x50xi32, #tpu.memory_space<vmem>>) offsets(%dma_start3A_67 : memref<128xi32, #tpu.memory_space<vmem>>) semaphore(%arg7 : memref<!tpu.dma_semaphore, #tpu.memory_space<semaphore_mem>>)
      %dma_start3A_71 = arith.constant 5 : i32
      %dma_start3A_72 = arith.constant 5 : i32
      %dma_start3A_73 = arith.constant 0 : i32
      %dma_start3A_74 = arith.constant 0 : i32
      %dma_start3A_75 = tpu.memref_slice %arg6[%dma_start3A_72, %dma_start3A_73, %dma_start3A_74] : memref<8x128x50xi32, #tpu.memory_space<vmem>> -> memref<1x128x50xi32, #tpu.memory_space<vmem>>
      %dma_start3A_76 = tpu.memref_squeeze %dma_start3A_75 : memref<1x128x50xi32, #tpu.memory_space<vmem>> -> memref<128x50xi32, #tpu.memory_space<vmem>>
      %dma_start3A_77 = arith.constant 0 : i32
      %dma_start3A_78 = tpu.memref_slice %arg5[%dma_start3A_71, %dma_start3A_77] : memref<8x128xi32, #tpu.memory_space<vmem>> -> memref<1x128xi32, #tpu.memory_space<vmem>>
      %dma_start3A_79 = tpu.memref_squeeze %dma_start3A_78 : memref<1x128xi32, #tpu.memory_space<vmem>> -> memref<128xi32, #tpu.memory_space<vmem>>
      %dma_start3A_80 = arith.constant 0 : i32
      %dma_start3A_81 = arith.constant 0 : i32
      %dma_start3A_82 = tpu.memref_slice %arg2[%dma_start3A_80, %dma_start3A_81] : memref<102400x50xi32, #tpu.memory_space<hbm>> -> memref<102400x50xi32, #tpu.memory_space<hbm>>
      tpu.enqueue_indirect_dma source(%dma_start3A_82 : memref<102400x50xi32, #tpu.memory_space<hbm>>) target(%dma_start3A_76 : memref<128x50xi32, #tpu.memory_space<vmem>>) offsets(%dma_start3A_79 : memref<128xi32, #tpu.memory_space<vmem>>) semaphore(%arg7 : memref<!tpu.dma_semaphore, #tpu.memory_space<semaphore_mem>>)
      %dma_start3A_83 = arith.constant 6 : i32
      %dma_start3A_84 = arith.constant 6 : i32
      %dma_start3A_85 = arith.constant 0 : i32
      %dma_start3A_86 = arith.constant 0 : i32
      %dma_start3A_87 = tpu.memref_slice %arg6[%dma_start3A_84, %dma_start3A_85, %dma_start3A_86] : memref<8x128x50xi32, #tpu.memory_space<vmem>> -> memref<1x128x50xi32, #tpu.memory_space<vmem>>
      %dma_start3A_88 = tpu.memref_squeeze %dma_start3A_87 : memref<1x128x50xi32, #tpu.memory_space<vmem>> -> memref<128x50xi32, #tpu.memory_space<vmem>>
      %dma_start3A_89 = arith.constant 0 : i32
      %dma_start3A_90 = tpu.memref_slice %arg5[%dma_start3A_83, %dma_start3A_89] : memref<8x128xi32, #tpu.memory_space<vmem>> -> memref<1x128xi32, #tpu.memory_space<vmem>>
      %dma_start3A_91 = tpu.memref_squeeze %dma_start3A_90 : memref<1x128xi32, #tpu.memory_space<vmem>> -> memref<128xi32, #tpu.memory_space<vmem>>
      %dma_start3A_92 = arith.constant 0 : i32
      %dma_start3A_93 = arith.constant 0 : i32
      %dma_start3A_94 = tpu.memref_slice %arg2[%dma_start3A_92, %dma_start3A_93] : memref<102400x50xi32, #tpu.memory_space<hbm>> -> memref<102400x50xi32, #tpu.memory_space<hbm>>
      tpu.enqueue_indirect_dma source(%dma_start3A_94 : memref<102400x50xi32, #tpu.memory_space<hbm>>) target(%dma_start3A_88 : memref<128x50xi32, #tpu.memory_space<vmem>>) offsets(%dma_start3A_91 : memref<128xi32, #tpu.memory_space<vmem>>) semaphore(%arg7 : memref<!tpu.dma_semaphore, #tpu.memory_space<semaphore_mem>>)
      %dma_start3A_95 = arith.constant 7 : i32
      %dma_start3A_96 = arith.constant 7 : i32
      %dma_start3A_97 = arith.constant 0 : i32
      %dma_start3A_98 = arith.constant 0 : i32
      %dma_start3A_99 = tpu.memref_slice %arg6[%dma_start3A_96, %dma_start3A_97, %dma_start3A_98] : memref<8x128x50xi32, #tpu.memory_space<vmem>> -> memref<1x128x50xi32, #tpu.memory_space<vmem>>
      %dma_start3A_100 = tpu.memref_squeeze %dma_start3A_99 : memref<1x128x50xi32, #tpu.memory_space<vmem>> -> memref<128x50xi32, #tpu.memory_space<vmem>>
      %dma_start3A_101 = arith.constant 0 : i32
      %dma_start3A_102 = tpu.memref_slice %arg5[%dma_start3A_95, %dma_start3A_101] : memref<8x128xi32, #tpu.memory_space<vmem>> -> memref<1x128xi32, #tpu.memory_space<vmem>>
      %dma_start3A_103 = tpu.memref_squeeze %dma_start3A_102 : memref<1x128xi32, #tpu.memory_space<vmem>> -> memref<128xi32, #tpu.memory_space<vmem>>
      %dma_start3A_104 = arith.constant 0 : i32
      %dma_start3A_105 = arith.constant 0 : i32
      %dma_start3A_106 = tpu.memref_slice %arg2[%dma_start3A_104, %dma_start3A_105] : memref<102400x50xi32, #tpu.memory_space<hbm>> -> memref<102400x50xi32, #tpu.memory_space<hbm>>
      tpu.enqueue_indirect_dma source(%dma_start3A_106 : memref<102400x50xi32, #tpu.memory_space<hbm>>) target(%dma_start3A_100 : memref<128x50xi32, #tpu.memory_space<vmem>>) offsets(%dma_start3A_103 : memref<128xi32, #tpu.memory_space<vmem>>) semaphore(%arg7 : memref<!tpu.dma_semaphore, #tpu.memory_space<semaphore_mem>>)
      %dma_wait3A = arith.constant 0 : i32
      %dma_wait3A_107 = arith.constant 0 : i32
      %dma_wait3A_108 = arith.constant 0 : i32
      %dma_wait3A_109 = arith.constant 0 : i32
      %dma_wait3A_110 = tpu.memref_slice %arg6[%dma_wait3A_107, %dma_wait3A_108, %dma_wait3A_109] : memref<8x128x50xi32, #tpu.memory_space<vmem>> -> memref<1x128x50xi32, #tpu.memory_space<vmem>>
      %dma_wait3A_111 = tpu.memref_squeeze %dma_wait3A_110 : memref<1x128x50xi32, #tpu.memory_space<vmem>> -> memref<128x50xi32, #tpu.memory_space<vmem>>
      %dma_wait3A_112 = arith.constant 0 : i32
      %dma_wait3A_113 = tpu.memref_slice %arg5[%dma_wait3A, %dma_wait3A_112] : memref<8x128xi32, #tpu.memory_space<vmem>> -> memref<1x128xi32, #tpu.memory_space<vmem>>
      %dma_wait3A_114 = tpu.memref_squeeze %dma_wait3A_113 : memref<1x128xi32, #tpu.memory_space<vmem>> -> memref<128xi32, #tpu.memory_space<vmem>>
      %dma_wait3A_115 = arith.constant 0 : i32
      %dma_wait3A_116 = arith.constant 0 : i32
      %dma_wait3A_117 = tpu.memref_slice %arg2[%dma_wait3A_115, %dma_wait3A_116] : memref<102400x50xi32, #tpu.memory_space<hbm>> -> memref<102400x50xi32, #tpu.memory_space<hbm>>
      tpu.wait_indirect_dma semaphore(%arg7 : memref<!tpu.dma_semaphore, #tpu.memory_space<semaphore_mem>>) src(%dma_wait3A_117 : memref<102400x50xi32, #tpu.memory_space<hbm>>) dst(%dma_wait3A_111 : memref<128x50xi32, #tpu.memory_space<vmem>>)
      %dma_wait3A_118 = arith.constant 1 : i32
      %dma_wait3A_119 = arith.constant 1 : i32
      %dma_wait3A_120 = arith.constant 0 : i32
      %dma_wait3A_121 = arith.constant 0 : i32
      %dma_wait3A_122 = tpu.memref_slice %arg6[%dma_wait3A_119, %dma_wait3A_120, %dma_wait3A_121] : memref<8x128x50xi32, #tpu.memory_space<vmem>> -> memref<1x128x50xi32, #tpu.memory_space<vmem>>
      %dma_wait3A_123 = tpu.memref_squeeze %dma_wait3A_122 : memref<1x128x50xi32, #tpu.memory_space<vmem>> -> memref<128x50xi32, #tpu.memory_space<vmem>>
      %dma_wait3A_124 = arith.constant 0 : i32
      %dma_wait3A_125 = tpu.memref_slice %arg5[%dma_wait3A_118, %dma_wait3A_124] : memref<8x128xi32, #tpu.memory_space<vmem>> -> memref<1x128xi32, #tpu.memory_space<vmem>>
      %dma_wait3A_126 = tpu.memref_squeeze %dma_wait3A_125 : memref<1x128xi32, #tpu.memory_space<vmem>> -> memref<128xi32, #tpu.memory_space<vmem>>
      %dma_wait3A_127 = arith.constant 0 : i32
      %dma_wait3A_128 = arith.constant 0 : i32
      %dma_wait3A_129 = tpu.memref_slice %arg2[%dma_wait3A_127, %dma_wait3A_128] : memref<102400x50xi32, #tpu.memory_space<hbm>> -> memref<102400x50xi32, #tpu.memory_space<hbm>>
      tpu.wait_indirect_dma semaphore(%arg7 : memref<!tpu.dma_semaphore, #tpu.memory_space<semaphore_mem>>) src(%dma_wait3A_129 : memref<102400x50xi32, #tpu.memory_space<hbm>>) dst(%dma_wait3A_123 : memref<128x50xi32, #tpu.memory_space<vmem>>)
      %dma_wait3A_130 = arith.constant 2 : i32
      %dma_wait3A_131 = arith.constant 2 : i32
      %dma_wait3A_132 = arith.constant 0 : i32
      %dma_wait3A_133 = arith.constant 0 : i32
      %dma_wait3A_134 = tpu.memref_slice %arg6[%dma_wait3A_131, %dma_wait3A_132, %dma_wait3A_133] : memref<8x128x50xi32, #tpu.memory_space<vmem>> -> memref<1x128x50xi32, #tpu.memory_space<vmem>>
      %dma_wait3A_135 = tpu.memref_squeeze %dma_wait3A_134 : memref<1x128x50xi32, #tpu.memory_space<vmem>> -> memref<128x50xi32, #tpu.memory_space<vmem>>
      %dma_wait3A_136 = arith.constant 0 : i32
      %dma_wait3A_137 = tpu.memref_slice %arg5[%dma_wait3A_130, %dma_wait3A_136] : memref<8x128xi32, #tpu.memory_space<vmem>> -> memref<1x128xi32, #tpu.memory_space<vmem>>
      %dma_wait3A_138 = tpu.memref_squeeze %dma_wait3A_137 : memref<1x128xi32, #tpu.memory_space<vmem>> -> memref<128xi32, #tpu.memory_space<vmem>>
      %dma_wait3A_139 = arith.constant 0 : i32
      %dma_wait3A_140 = arith.constant 0 : i32
      %dma_wait3A_141 = tpu.memref_slice %arg2[%dma_wait3A_139, %dma_wait3A_140] : memref<102400x50xi32, #tpu.memory_space<hbm>> -> memref<102400x50xi32, #tpu.memory_space<hbm>>
      tpu.wait_indirect_dma semaphore(%arg7 : memref<!tpu.dma_semaphore, #tpu.memory_space<semaphore_mem>>) src(%dma_wait3A_141 : memref<102400x50xi32, #tpu.memory_space<hbm>>) dst(%dma_wait3A_135 : memref<128x50xi32, #tpu.memory_space<vmem>>)
      %dma_wait3A_142 = arith.constant 3 : i32
      %dma_wait3A_143 = arith.constant 3 : i32
      %dma_wait3A_144 = arith.constant 0 : i32
      %dma_wait3A_145 = arith.constant 0 : i32
      %dma_wait3A_146 = tpu.memref_slice %arg6[%dma_wait3A_143, %dma_wait3A_144, %dma_wait3A_145] : memref<8x128x50xi32, #tpu.memory_space<vmem>> -> memref<1x128x50xi32, #tpu.memory_space<vmem>>
      %dma_wait3A_147 = tpu.memref_squeeze %dma_wait3A_146 : memref<1x128x50xi32, #tpu.memory_space<vmem>> -> memref<128x50xi32, #tpu.memory_space<vmem>>
      %dma_wait3A_148 = arith.constant 0 : i32
      %dma_wait3A_149 = tpu.memref_slice %arg5[%dma_wait3A_142, %dma_wait3A_148] : memref<8x128xi32, #tpu.memory_space<vmem>> -> memref<1x128xi32, #tpu.memory_space<vmem>>
      %dma_wait3A_150 = tpu.memref_squeeze %dma_wait3A_149 : memref<1x128xi32, #tpu.memory_space<vmem>> -> memref<128xi32, #tpu.memory_space<vmem>>
      %dma_wait3A_151 = arith.constant 0 : i32
      %dma_wait3A_152 = arith.constant 0 : i32
      %dma_wait3A_153 = tpu.memref_slice %arg2[%dma_wait3A_151, %dma_wait3A_152] : memref<102400x50xi32, #tpu.memory_space<hbm>> -> memref<102400x50xi32, #tpu.memory_space<hbm>>
      tpu.wait_indirect_dma semaphore(%arg7 : memref<!tpu.dma_semaphore, #tpu.memory_space<semaphore_mem>>) src(%dma_wait3A_153 : memref<102400x50xi32, #tpu.memory_space<hbm>>) dst(%dma_wait3A_147 : memref<128x50xi32, #tpu.memory_space<vmem>>)
      %dma_wait3A_154 = arith.constant 4 : i32
      %dma_wait3A_155 = arith.constant 4 : i32
      %dma_wait3A_156 = arith.constant 0 : i32
      %dma_wait3A_157 = arith.constant 0 : i32
      %dma_wait3A_158 = tpu.memref_slice %arg6[%dma_wait3A_155, %dma_wait3A_156, %dma_wait3A_157] : memref<8x128x50xi32, #tpu.memory_space<vmem>> -> memref<1x128x50xi32, #tpu.memory_space<vmem>>
      %dma_wait3A_159 = tpu.memref_squeeze %dma_wait3A_158 : memref<1x128x50xi32, #tpu.memory_space<vmem>> -> memref<128x50xi32, #tpu.memory_space<vmem>>
      %dma_wait3A_160 = arith.constant 0 : i32
      %dma_wait3A_161 = tpu.memref_slice %arg5[%dma_wait3A_154, %dma_wait3A_160] : memref<8x128xi32, #tpu.memory_space<vmem>> -> memref<1x128xi32, #tpu.memory_space<vmem>>
      %dma_wait3A_162 = tpu.memref_squeeze %dma_wait3A_161 : memref<1x128xi32, #tpu.memory_space<vmem>> -> memref<128xi32, #tpu.memory_space<vmem>>
      %dma_wait3A_163 = arith.constant 0 : i32
      %dma_wait3A_164 = arith.constant 0 : i32
      %dma_wait3A_165 = tpu.memref_slice %arg2[%dma_wait3A_163, %dma_wait3A_164] : memref<102400x50xi32, #tpu.memory_space<hbm>> -> memref<102400x50xi32, #tpu.memory_space<hbm>>
      tpu.wait_indirect_dma semaphore(%arg7 : memref<!tpu.dma_semaphore, #tpu.memory_space<semaphore_mem>>) src(%dma_wait3A_165 : memref<102400x50xi32, #tpu.memory_space<hbm>>) dst(%dma_wait3A_159 : memref<128x50xi32, #tpu.memory_space<vmem>>)
      %dma_wait3A_166 = arith.constant 5 : i32
      %dma_wait3A_167 = arith.constant 5 : i32
      %dma_wait3A_168 = arith.constant 0 : i32
      %dma_wait3A_169 = arith.constant 0 : i32
      %dma_wait3A_170 = tpu.memref_slice %arg6[%dma_wait3A_167, %dma_wait3A_168, %dma_wait3A_169] : memref<8x128x50xi32, #tpu.memory_space<vmem>> -> memref<1x128x50xi32, #tpu.memory_space<vmem>>
      %dma_wait3A_171 = tpu.memref_squeeze %dma_wait3A_170 : memref<1x128x50xi32, #tpu.memory_space<vmem>> -> memref<128x50xi32, #tpu.memory_space<vmem>>
      %dma_wait3A_172 = arith.constant 0 : i32
      %dma_wait3A_173 = tpu.memref_slice %arg5[%dma_wait3A_166, %dma_wait3A_172] : memref<8x128xi32, #tpu.memory_space<vmem>> -> memref<1x128xi32, #tpu.memory_space<vmem>>
      %dma_wait3A_174 = tpu.memref_squeeze %dma_wait3A_173 : memref<1x128xi32, #tpu.memory_space<vmem>> -> memref<128xi32, #tpu.memory_space<vmem>>
      %dma_wait3A_175 = arith.constant 0 : i32
      %dma_wait3A_176 = arith.constant 0 : i32
      %dma_wait3A_177 = tpu.memref_slice %arg2[%dma_wait3A_175, %dma_wait3A_176] : memref<102400x50xi32, #tpu.memory_space<hbm>> -> memref<102400x50xi32, #tpu.memory_space<hbm>>
      tpu.wait_indirect_dma semaphore(%arg7 : memref<!tpu.dma_semaphore, #tpu.memory_space<semaphore_mem>>) src(%dma_wait3A_177 : memref<102400x50xi32, #tpu.memory_space<hbm>>) dst(%dma_wait3A_171 : memref<128x50xi32, #tpu.memory_space<vmem>>)
      %dma_wait3A_178 = arith.constant 6 : i32
      %dma_wait3A_179 = arith.constant 6 : i32
      %dma_wait3A_180 = arith.constant 0 : i32
      %dma_wait3A_181 = arith.constant 0 : i32
      %dma_wait3A_182 = tpu.memref_slice %arg6[%dma_wait3A_179, %dma_wait3A_180, %dma_wait3A_181] : memref<8x128x50xi32, #tpu.memory_space<vmem>> -> memref<1x128x50xi32, #tpu.memory_space<vmem>>
      %dma_wait3A_183 = tpu.memref_squeeze %dma_wait3A_182 : memref<1x128x50xi32, #tpu.memory_space<vmem>> -> memref<128x50xi32, #tpu.memory_space<vmem>>
      %dma_wait3A_184 = arith.constant 0 : i32
      %dma_wait3A_185 = tpu.memref_slice %arg5[%dma_wait3A_178, %dma_wait3A_184] : memref<8x128xi32, #tpu.memory_space<vmem>> -> memref<1x128xi32, #tpu.memory_space<vmem>>
      %dma_wait3A_186 = tpu.memref_squeeze %dma_wait3A_185 : memref<1x128xi32, #tpu.memory_space<vmem>> -> memref<128xi32, #tpu.memory_space<vmem>>
      %dma_wait3A_187 = arith.constant 0 : i32
      %dma_wait3A_188 = arith.constant 0 : i32
      %dma_wait3A_189 = tpu.memref_slice %arg2[%dma_wait3A_187, %dma_wait3A_188] : memref<102400x50xi32, #tpu.memory_space<hbm>> -> memref<102400x50xi32, #tpu.memory_space<hbm>>
      tpu.wait_indirect_dma semaphore(%arg7 : memref<!tpu.dma_semaphore, #tpu.memory_space<semaphore_mem>>) src(%dma_wait3A_189 : memref<102400x50xi32, #tpu.memory_space<hbm>>) dst(%dma_wait3A_183 : memref<128x50xi32, #tpu.memory_space<vmem>>)
      %dma_wait3A_190 = arith.constant 7 : i32
      %dma_wait3A_191 = arith.constant 7 : i32
      %dma_wait3A_192 = arith.constant 0 : i32
      %dma_wait3A_193 = arith.constant 0 : i32
      %dma_wait3A_194 = tpu.memref_slice %arg6[%dma_wait3A_191, %dma_wait3A_192, %dma_wait3A_193] : memref<8x128x50xi32, #tpu.memory_space<vmem>> -> memref<1x128x50xi32, #tpu.memory_space<vmem>>
      %dma_wait3A_195 = tpu.memref_squeeze %dma_wait3A_194 : memref<1x128x50xi32, #tpu.memory_space<vmem>> -> memref<128x50xi32, #tpu.memory_space<vmem>>
      %dma_wait3A_196 = arith.constant 0 : i32
      %dma_wait3A_197 = tpu.memref_slice %arg5[%dma_wait3A_190, %dma_wait3A_196] : memref<8x128xi32, #tpu.memory_space<vmem>> -> memref<1x128xi32, #tpu.memory_space<vmem>>
      %dma_wait3A_198 = tpu.memref_squeeze %dma_wait3A_197 : memref<1x128xi32, #tpu.memory_space<vmem>> -> memref<128xi32, #tpu.memory_space<vmem>>
      %dma_wait3A_199 = arith.constant 0 : i32
      %dma_wait3A_200 = arith.constant 0 : i32
      %dma_wait3A_201 = tpu.memref_slice %arg2[%dma_wait3A_199, %dma_wait3A_200] : memref<102400x50xi32, #tpu.memory_space<hbm>> -> memref<102400x50xi32, #tpu.memory_space<hbm>>
      tpu.wait_indirect_dma semaphore(%arg7 : memref<!tpu.dma_semaphore, #tpu.memory_space<semaphore_mem>>) src(%dma_wait3A_201 : memref<102400x50xi32, #tpu.memory_space<hbm>>) dst(%dma_wait3A_195 : memref<128x50xi32, #tpu.memory_space<vmem>>)
      "tpu.region"() ({
        %run_scoped3A = tpu.sem_alloc : memref<!tpu.dma_semaphore, #tpu.memory_space<semaphore_mem>>
        %dma_start3A_202 = arith.constant 0 : i32
        %dma_start3A_203 = arith.constant 0 : i32
        %dma_start3A_204 = arith.constant 0 : i32
        %dma_start3A_205 = tpu.memref_slice %arg4[%add3A_9, %dma_start3A_202, %dma_start3A_203, %dma_start3A_204] : memref<1024x8x128x50xi32, #tpu.memory_space<hbm>> -> memref<1x8x128x50xi32, #tpu.memory_space<hbm>>
        %dma_start3A_206 = tpu.memref_squeeze %dma_start3A_205 : memref<1x8x128x50xi32, #tpu.memory_space<hbm>> -> memref<8x128x50xi32, #tpu.memory_space<hbm>>
        %dma_start3A_207 = arith.constant 0 : i32
        %dma_start3A_208 = arith.constant 0 : i32
        %dma_start3A_209 = arith.constant 0 : i32
        %dma_start3A_210 = tpu.memref_slice %arg4[%add3A_9, %dma_start3A_207, %dma_start3A_208, %dma_start3A_209] : memref<1024x8x128x50xi32, #tpu.memory_space<hbm>> -> memref<1x8x128x50xi32, #tpu.memory_space<hbm>>
        %dma_start3A_211 = tpu.memref_squeeze %dma_start3A_210 : memref<1x8x128x50xi32, #tpu.memory_space<hbm>> -> memref<8x128x50xi32, #tpu.memory_space<hbm>>
        tpu.enqueue_dma source(%arg6 : memref<8x128x50xi32, #tpu.memory_space<vmem>>) target(%dma_start3A_211 : memref<8x128x50xi32, #tpu.memory_space<hbm>>) target_semaphore(%run_scoped3A : memref<!tpu.dma_semaphore, #tpu.memory_space<semaphore_mem>>)
        %dma_wait3A_212 = arith.constant 0 : i32
        %dma_wait3A_213 = arith.constant 0 : i32
        %dma_wait3A_214 = arith.constant 0 : i32
        %dma_wait3A_215 = tpu.memref_slice %arg4[%add3A_9, %dma_wait3A_212, %dma_wait3A_213, %dma_wait3A_214] : memref<1024x8x128x50xi32, #tpu.memory_space<hbm>> -> memref<1x8x128x50xi32, #tpu.memory_space<hbm>>
        %dma_wait3A_216 = tpu.memref_squeeze %dma_wait3A_215 : memref<1x8x128x50xi32, #tpu.memory_space<hbm>> -> memref<8x128x50xi32, #tpu.memory_space<hbm>>
        %dma_wait3A_217 = arith.constant 0 : i32
        %dma_wait3A_218 = arith.constant 0 : i32
        %dma_wait3A_219 = arith.constant 0 : i32
        %dma_wait3A_220 = tpu.memref_slice %arg4[%add3A_9, %dma_wait3A_217, %dma_wait3A_218, %dma_wait3A_219] : memref<1024x8x128x50xi32, #tpu.memory_space<hbm>> -> memref<1x8x128x50xi32, #tpu.memory_space<hbm>>
        %dma_wait3A_221 = tpu.memref_squeeze %dma_wait3A_220 : memref<1x8x128x50xi32, #tpu.memory_space<hbm>> -> memref<8x128x50xi32, #tpu.memory_space<hbm>>
        tpu.wait_dma2 semaphore(%run_scoped3A : memref<!tpu.dma_semaphore, #tpu.memory_space<semaphore_mem>>) src(%arg6 : memref<8x128x50xi32, #tpu.memory_space<vmem>>) dst(%dma_wait3A_221 : memref<8x128x50xi32, #tpu.memory_space<hbm>>)
        tpu.yield
      }) : () -> ()
    }
    %scan3A_5 = arith.constant 32 : i32
    return
  }
}

module attributes {stable_mosaic.version = 14 : i64} {
  func.func @_prep_body(%arg0: i32, %arg1: memref<128x1024xi32, #tpu.memory_space<vmem>>, %arg2: memref<1024x128xi32, #tpu.memory_space<vmem>>, %arg3: memref<100x100xf32, #tpu.memory_space<vmem>>, %arg4: memref<1024x100xbf16, #tpu.memory_space<vmem>>, %arg5: memref<1x100xbf16, #tpu.memory_space<vmem>>, %arg6: memref<100x128x50xi32, #tpu.memory_space<vmem>>, %arg7: memref<1024x128xi32, #tpu.memory_space<vmem>>) attributes {dimension_semantics = [#tpu.dimension_semantics<arbitrary>], iteration_bounds = array<i64: 8>, scalar_prefetch = 0 : i64, scratch_operands = 0 : i64, tpu.core_type = #tpu.core_type<tc>, window_params = [{transform_indices = @transform_0, window_bounds = array<i64: 128, 1024>}, {transform_indices = @transform_1, window_bounds = array<i64: 1024, 128>}, {pipeline_mode = #tpu.pipeline_mode<synchronous>, transform_indices = @transform_2, window_bounds = array<i64: 100, 100>}, {pipeline_mode = #tpu.pipeline_mode<synchronous>, transform_indices = @transform_3, window_bounds = array<i64: 1024, 100>}, {pipeline_mode = #tpu.pipeline_mode<synchronous>, transform_indices = @transform_4, window_bounds = array<i64: 1, 100>}, {transform_indices = @transform_5, window_bounds = array<i64: 100, 128, 50>}, {transform_indices = @transform_6, window_bounds = array<i64: 1024, 128>}]} {
    %get3A = arith.constant 0 : index
    %get3A_0 = arith.constant 0 : index
    %get3A_1 = vector.load %arg1[%get3A, %get3A_0] : memref<128x1024xi32, #tpu.memory_space<vmem>>, vector<128x1024xi32>
    %convert_element_type3A = arith.sitofp %get3A_1 : vector<128x1024xi32> to vector<128x1024xf32>
    %convert_element_type3A_2 = arith.truncf %convert_element_type3A : vector<128x1024xf32> to vector<128x1024xbf16>
    %get3A_3 = arith.constant 0 : index
    %get3A_4 = arith.constant 0 : index
    %get3A_5 = vector.load %arg4[%get3A_3, %get3A_4] : memref<1024x100xbf16, #tpu.memory_space<vmem>>, vector<1024x100xbf16>
    %dot_general3A = arith.constant dense<0.000000e+00> : vector<128x100xf32>
    %dot_general3A_6 = tpu.matmul %convert_element_type3A_2, %get3A_5, %dot_general3A {dimension_numbers = #tpu.dot_dimension_numbers<[1], [0], [0], [1], [0, 0, 1, 1], [], []>, transpose_lhs_hint = false} : vector<128x1024xbf16>, vector<1024x100xbf16>, vector<128x100xf32> -> vector<128x100xf32>
    %convert_element_type3A_7 = arith.truncf %dot_general3A_6 : vector<128x100xf32> to vector<128x100xbf16>
    %get3A_8 = arith.constant 0 : index
    %get3A_9 = arith.constant 0 : index
    %get3A_10 = vector.load %arg5[%get3A_8, %get3A_9] : memref<1x100xbf16, #tpu.memory_space<vmem>>, vector<1x100xbf16>
    %add3A = vector.broadcast %get3A_10 : vector<1x100xbf16> to vector<128x100xbf16>
    %add3A_11 = arith.addf %convert_element_type3A_7, %add3A : vector<128x100xbf16>
    %get3A_12 = arith.constant 0 : index
    %get3A_13 = arith.constant 0 : index
    %get3A_14 = vector.load %arg3[%get3A_12, %get3A_13] : memref<100x100xf32, #tpu.memory_space<vmem>>, vector<100x100xf32>
    %convert_element_type3A_15 = arith.truncf %get3A_14 : vector<100x100xf32> to vector<100x100xbf16>
    %broadcast_in_dim3A = vector.shape_cast %convert_element_type3A_15 : vector<100x100xbf16> to vector<100x1x100xbf16>
    %broadcast_in_dim3A_16 = vector.shape_cast %add3A_11 : vector<128x100xbf16> to vector<1x128x100xbf16>
    %add3A_17 = vector.broadcast %broadcast_in_dim3A : vector<100x1x100xbf16> to vector<100x128x100xbf16>
    %add3A_18 = vector.broadcast %broadcast_in_dim3A_16 : vector<1x128x100xbf16> to vector<100x128x100xbf16>
    %add3A_19 = arith.addf %add3A_17, %add3A_18 : vector<100x128x100xbf16>
    %slice3A = vector.extract_strided_slice %add3A_19 {offsets = [0, 0, 0], sizes = [100, 128, 50], strides = [1, 1, 1]} : vector<100x128x100xbf16> to vector<100x128x50xbf16>
    %bitcast_convert_type3A = tpu.bitcast %slice3A : vector<100x128x50xbf16> -> vector<100x128x50xi16>
    %convert_element_type3A_20 = arith.extui %bitcast_convert_type3A : vector<100x128x50xi16> to vector<100x128x50xi32>
    %slice3A_21 = vector.extract_strided_slice %add3A_19 {offsets = [0, 0, 50], sizes = [100, 128, 50], strides = [1, 1, 1]} : vector<100x128x100xbf16> to vector<100x128x50xbf16>
    %bitcast_convert_type3A_22 = tpu.bitcast %slice3A_21 : vector<100x128x50xbf16> -> vector<100x128x50xi16>
    %convert_element_type3A_23 = arith.extui %bitcast_convert_type3A_22 : vector<100x128x50xi16> to vector<100x128x50xi32>
    %shift_left3A = arith.constant 16 : i32
    %shift_left3A_24 = vector.broadcast %shift_left3A : i32 to vector<100x128x50xi32>
    %shift_left3A_25 = arith.shli %convert_element_type3A_23, %shift_left3A_24 : vector<100x128x50xi32>
    %or3A = arith.ori %convert_element_type3A_20, %shift_left3A_25 : vector<100x128x50xi32>
    %bitcast_convert_type3A_26 = tpu.bitcast %or3A : vector<100x128x50xi32> -> vector<100x128x50xi32>
    %swap3A = arith.constant 0 : index
    %swap3A_27 = arith.constant 0 : index
    %swap3A_28 = arith.constant 0 : index
    %swap3A_29 = vector.load %arg6[%swap3A, %swap3A_27, %swap3A_28] : memref<100x128x50xi32, #tpu.memory_space<vmem>>, vector<100x128x50xi32>
    tpu.vector_store %arg6[%swap3A, %swap3A_27, %swap3A_28], %bitcast_convert_type3A_26 {strides = array<i32>} : memref<100x128x50xi32, #tpu.memory_space<vmem>>, vector<100x128x50xi32>,
    %mul3A = arith.constant 128 : i32
    %mul3A_30 = arith.muli %arg0, %mul3A : i32
    %iota3A = tpu.iota {dimensions = array<i32: 1>} : vector<1024x128xi32>
    %add3A_31 = vector.broadcast %mul3A_30 : i32 to vector<1024x128xi32>
    %add3A_32 = arith.addi %add3A_31, %iota3A : vector<1024x128xi32>
    %get3A_33 = arith.constant 0 : index
    %get3A_34 = arith.constant 0 : index
    %get3A_35 = vector.load %arg2[%get3A_33, %get3A_34] : memref<1024x128xi32, #tpu.memory_space<vmem>>, vector<1024x128xi32>
    %mul3A_36 = arith.constant 1024 : i32
    %mul3A_37 = vector.broadcast %mul3A_36 : i32 to vector<1024x128xi32>
    %mul3A_38 = arith.muli %get3A_35, %mul3A_37 : vector<1024x128xi32>
    %add3A_39 = arith.addi %mul3A_38, %add3A_32 : vector<1024x128xi32>
    %swap3A_40 = arith.constant 0 : index
    %swap3A_41 = arith.constant 0 : index
    %swap3A_42 = vector.load %arg7[%swap3A_40, %swap3A_41] : memref<1024x128xi32, #tpu.memory_space<vmem>>, vector<1024x128xi32>
    tpu.vector_store %arg7[%swap3A_40, %swap3A_41], %add3A_39 {strides = array<i32>} : memref<1024x128xi32, #tpu.memory_space<vmem>>, vector<1024x128xi32>,
    return
  }
  func.func @transform_0(%arg0: i32) -> (i32, i32) {
    %c0_i32 = arith.constant 0 : i32
    %c0_i32_0 = arith.constant 0 : i32
    return %arg0, %c0_i32 : i32, i32
  }
  func.func @transform_1(%arg0: i32) -> (i32, i32) {
    %c0_i32 = arith.constant 0 : i32
    %c0_i32_0 = arith.constant 0 : i32
    return %c0_i32, %arg0 : i32, i32
  }
  func.func @transform_2(%arg0: i32) -> (i32, i32) {
    %c0_i32 = arith.constant 0 : i32
    %c0_i32_0 = arith.constant 0 : i32
    %c0_i32_1 = arith.constant 0 : i32
    return %c0_i32, %c0_i32_0 : i32, i32
  }
  func.func @transform_3(%arg0: i32) -> (i32, i32) {
    %c0_i32 = arith.constant 0 : i32
    %c0_i32_0 = arith.constant 0 : i32
    %c0_i32_1 = arith.constant 0 : i32
    return %c0_i32, %c0_i32_0 : i32, i32
  }
  func.func @transform_4(%arg0: i32) -> (i32, i32) {
    %c0_i32 = arith.constant 0 : i32
    %c0_i32_0 = arith.constant 0 : i32
    %c0_i32_1 = arith.constant 0 : i32
    return %c0_i32, %c0_i32_0 : i32, i32
  }
  func.func @transform_5(%arg0: i32) -> (i32, i32, i32) {
    %c0_i32 = arith.constant 0 : i32
    %c0_i32_0 = arith.constant 0 : i32
    %c0_i32_1 = arith.constant 0 : i32
    return %c0_i32, %arg0, %c0_i32_0 : i32, i32, i32
  }
  func.func @transform_6(%arg0: i32) -> (i32, i32) {
    %c0_i32 = arith.constant 0 : i32
    %c0_i32_0 = arith.constant 0 : i32
    return %c0_i32, %arg0 : i32, i32
  }
}

module attributes {stable_mosaic.version = 14 : i64} {
  func.func @_epi_body(%arg0: i32, %arg1: memref<16x8x128x50xi32, #tpu.memory_space<vmem>>, %arg2: memref<16x8x128x100xbf16, #tpu.memory_space<vmem>>) attributes {dimension_semantics = [#tpu.dimension_semantics<arbitrary>], iteration_bounds = array<i64: 64>, scalar_prefetch = 0 : i64, scratch_operands = 0 : i64, tpu.core_type = #tpu.core_type<tc>, window_params = [{transform_indices = @transform_0, window_bounds = array<i64: 16, 8, 128, 50>}, {transform_indices = @transform_1, window_bounds = array<i64: 16, 8, 128, 100>}]} {
    %get3A = arith.constant 0 : index
    %get3A_0 = arith.constant 0 : index
    %get3A_1 = arith.constant 0 : index
    %get3A_2 = arith.constant 0 : index
    %get3A_3 = vector.load %arg1[%get3A, %get3A_0, %get3A_1, %get3A_2] : memref<16x8x128x50xi32, #tpu.memory_space<vmem>>, vector<16x8x128x50xi32>
    %shift_left3A = arith.constant 16 : i32
    %shift_left3A_4 = vector.broadcast %shift_left3A : i32 to vector<16x8x128x50xi32>
    %shift_left3A_5 = arith.shli %get3A_3, %shift_left3A_4 : vector<16x8x128x50xi32>
    %bitcast_convert_type3A = tpu.bitcast %shift_left3A_5 : vector<16x8x128x50xi32> -> vector<16x8x128x50xf32>
    %convert_element_type3A = arith.truncf %bitcast_convert_type3A : vector<16x8x128x50xf32> to vector<16x8x128x50xbf16>
    %and3A = arith.constant -65536 : i32
    %and3A_6 = vector.broadcast %and3A : i32 to vector<16x8x128x50xi32>
    %and3A_7 = arith.andi %get3A_3, %and3A_6 : vector<16x8x128x50xi32>
    %bitcast_convert_type3A_8 = tpu.bitcast %and3A_7 : vector<16x8x128x50xi32> -> vector<16x8x128x50xf32>
    %convert_element_type3A_9 = arith.truncf %bitcast_convert_type3A_8 : vector<16x8x128x50xf32> to vector<16x8x128x50xbf16>
    %concatenate3A = tpu.concatenate %convert_element_type3A, %convert_element_type3A_9 in 3 : vector<16x8x128x50xbf16>, vector<16x8x128x50xbf16> -> vector<16x8x128x100xbf16>
    %swap3A = arith.constant 0 : index
    %swap3A_10 = arith.constant 0 : index
    %swap3A_11 = arith.constant 0 : index
    %swap3A_12 = arith.constant 0 : index
    %swap3A_13 = vector.load %arg2[%swap3A, %swap3A_10, %swap3A_11, %swap3A_12] : memref<16x8x128x100xbf16, #tpu.memory_space<vmem>>, vector<16x8x128x100xbf16>
    tpu.vector_store %arg2[%swap3A, %swap3A_10, %swap3A_11, %swap3A_12], %concatenate3A {strides = array<i32>} : memref<16x8x128x100xbf16, #tpu.memory_space<vmem>>, vector<16x8x128x100xbf16>,
    return
  }
  func.func @transform_0(%arg0: i32) -> (i32, i32, i32, i32) {
    %c0_i32 = arith.constant 0 : i32
    %c0_i32_0 = arith.constant 0 : i32
    %c0_i32_1 = arith.constant 0 : i32
    %c0_i32_2 = arith.constant 0 : i32
    return %arg0, %c0_i32, %c0_i32_0, %c0_i32_1 : i32, i32, i32, i32
  }
  func.func @transform_1(%arg0: i32) -> (i32, i32, i32, i32) {
    %c0_i32 = arith.constant 0 : i32
    %c0_i32_0 = arith.constant 0 : i32
    %c0_i32_1 = arith.constant 0 : i32
    %c0_i32_2 = arith.constant 0 : i32
    return %arg0, %c0_i32, %c0_i32_0, %c0_i32_1 : i32, i32, i32, i32
  }
}

</mosaic_0001>

<sc_bundles>
// kernel: kernel.5.cloned.1.call-start
scs
__scs_entry_jumppad:
0x0: {  	(pc) =	sbr.rel $0x88, $3  }
0x1: {  	(tag) =	ssettag $0x0;
	lr =	simm.s32 $0x1  }
0x2: {  	[smem:$0x3F9D] =	sst lr;
	_ =	strace $0xD0000000  }
0x3: {  	_ = 	snop  }
0x4: {  	_ = 	snop  }
0x5: {  	_ = 	snop  }
0x6: {  	_ = 	snop  }
0x7: {  	_ = 	snop  }
__scs_overlays_trampoline_lowered:
0x8: {  	[smem:$0x3FAC] =	sst s0  }
0x9: {  	[smem:$0x3FAD] =	sst s1  }
0xa: {  	[smem:$0x3FAE] =	sst s2  }
0xb: {  	[smem:$0x3FAF] =	sst s3  }
0xc: {  	[smem:$0x3FB0] =	sst s4  }
0xd: {  	[smem:$0x3FB1] =	sst s5  }
0xe: {  	[smem:$0x3FB2] =	sst s6  }
0xf: {  	[smem:$0x3FB3] =	sst s7  }
0x10: {  	[smem:$0x3FB4] =	sst s8  }
0x11: {  	[smem:$0x3FB5] =	sst s9;
	s0 =	simm.s32 @!p0 $0x0  }
0x12: {  	s1 =	sld [smem:$0x3F9B];
	s0 =	simm.s32 @p0 $0x1  }
0x13: {  	[smem:$0x3FB6] =	sst s0;
	s0 =	simm.s32 @!p1 $0x0  }
0x14: {  	s2 =	sld [smem:$0x3F9A];
	s0 =	simm.s32 @p1 $0x1  }
0x15: {  	[smem:$0x3FB7] =	sst s0;
	s0 =	simm.s32 @!p2 $0x0  }
0x16: {  	s3 =	sld [smem:$0x3FDB];
	s0 =	simm.s32 @p2 $0x1  }
0x17: {  	s4 =	simm.s32 $0x1BF5;
	[smem:$0x3FB9] =	sst s0  }
0x18: {  	s0 =	sld [smem:$0x3F9C];
	_ =	swait.ge [sflag:s4], $0x0  }
0x19: {  	s7 =	sld [smem:$0x3F9D]  }
0x1a: {  	s8 =	sadd.s32 $0xFFFFE003, lr  }
0x1b: {  	s9 =	sadd.s32 $0xFFFFFEF7, lr;
	s5 =	simm.s32 $0xFFFFFFFF;
	p2 =	slt.u32 s8, $0xFFFFF086  }
0x1c: {  	p1 =	slt.u32 s9, $0xF7A;
	s5 =	simm.s32 @!p2 $0x0  }
0x1d: {  	s5 =	simm.s32 @p1 $0x1;
	p0 =	seq.s32 s7, s2  }
0x1e: {  	s7 =	smul.u32 @!p0 $0xF7A, s2;
	p2 =	seq.s32 @!p0 s5, $0x0  }
0x1f: {  	s9 =	smul.u32 $0xF7A, s1;
	s8 =	simm.s32 @!p0 $0x1BF5;
	p2 =	por !p2, p0  }
0x20: {  	[sflag:s8] =	ssyncset.s32 @!p0 $0xFFFFF086;
	s6 =	sadd.s32 @!p0 s3, s7;
	s7 =	simm.s32 @!p0 $0x108  }
0x21: {  	s3 =	sadd.s32 s3, s9;
	s6 =	sadd.s32 @!p0 $0x88, s6;
	s7 =	simm.s32 @p2 $0x1082  }
0x22: {  	[simem:s7], [sflag:s8] =	dma.local @!p0 [hbm:s6], $0xF7A  }
0x23: {  	s9 =	sor.u32 $0xD0000000, s2;
	s6 =	simm.s32 $0x108;
	_ =	swait.ge @!p0 [sflag:s8], $0x0  }
0x24: {  	s3 =	sadd.s32 $0x88, s3;
	s6 =	simm.s32 @!p1 $0x1082;
	[sflag:s4] =	ssyncset.s32 $0xFFFFF086  }
0x25: {  	[simem:s6], [sflag:s4] =	dma.local [hbm:s3], $0xF7A  }
0x26: {  	[smem:$0x3F9D] =	sst s1;
	(tag) =	ssettag s2;
	_ =	strace s9  }
0x27: {  	s1 =	sld [smem:$0x3FAD]  }
0x28: {  	s2 =	sld [smem:$0x3FAE]  }
0x29: {  	s4 =	sld [smem:$0x3FB0]  }
0x2a: {  	p0 =	seq.s32 s5, $0x0;
	s5 =	sld [smem:$0x3FB1]  }
0x2b: {  	s6 =	sld [smem:$0x3FB2]  }
0x2c: {  	s7 =	sld [smem:$0x3FB3]  }
0x2d: {  	s3 =	simm.s32 $0x108;
	s8 =	sld [smem:$0x3FB4]  }
0x2e: {  	s3 =	simm.s32 @!p0 $0x1082;
	s9 =	sld [smem:$0x3FB5]  }
0x2f: {  	lr =	sadd.s32 s0, s3;
	s0 =	sld [smem:$0x3FAC]  }
0x30: {  	s3 =	sld [smem:$0x3FAF]  }
0x31: {  	[smem:$0x3FB8] =	sst s10  }
0x32: {  	s10 =	sld [smem:$0x3FB6];
	_ =	sdelay $0x3  }
0x33: {  	p0 =	seq.s32 s10, $0x1;
	s10 =	sld [smem:$0x3FB8];
	_ =	sdelay $0x3  }
0x34: {  	[smem:$0x3FB8] =	sst s10  }
0x35: {  	s10 =	sld [smem:$0x3FB7];
	_ =	sdelay $0x3  }
0x36: {  	p1 =	seq.s32 s10, $0x1;
	s10 =	sld [smem:$0x3FB8];
	_ =	sdelay $0x3  }
0x37: {  	[smem:$0x3FB8] =	sst s10  }
0x38: {  	s10 =	sld [smem:$0x3FB9]  }
0x39: {  	_ = 	snop;
	(pc) =	sbr.ind lr, $3  }
0x3a: {  	_ = 	snop  }
0x3b: {  	_ = 	snop  }
0x3c: {  	p2 =	seq.s32 s10, $0x1;
	s10 =	sld [smem:$0x3FB8]  }
0x3d: {  	_ =	shalt  }
0x3e: {  	_ =	shalt  }
0x3f: {  	_ =	shalt  }
0x40: {  	_ =	shalt  }
0x41: {  	_ =	shalt  }
0x42: {  	_ =	shalt  }
0x43: {  	_ =	shalt  }
0x44: {  	_ =	shalt  }
0x45: {  	_ =	shalt  }
0x46: {  	_ =	shalt  }
0x47: {  	_ =	shalt  }
0x48: {  	_ =	shalt  }
0x49: {  	_ =	shalt  }
0x4a: {  	_ =	shalt  }
0x4b: {  	_ =	shalt  }
0x4c: {  	_ =	shalt  }
0x4d: {  	_ =	shalt  }
0x4e: {  	_ =	shalt  }
0x4f: {  	_ =	shalt  }
0x50: {  	_ =	shalt  }
0x51: {  	_ =	shalt  }
0x52: {  	_ =	shalt  }
0x53: {  	_ =	shalt  }
0x54: {  	_ =	shalt  }
0x55: {  	_ =	shalt  }
0x56: {  	_ =	shalt  }
0x57: {  	_ =	shalt  }
0x58: {  	_ =	shalt  }
0x59: {  	_ =	shalt  }
0x5a: {  	_ =	shalt  }
0x5b: {  	_ =	shalt  }
0x5c: {  	_ =	shalt  }
0x5d: {  	_ =	shalt  }
0x5e: {  	_ =	shalt  }
0x5f: {  	_ =	shalt  }
0x60: {  	_ =	shalt  }
0x61: {  	_ =	shalt  }
0x62: {  	_ =	shalt  }
0x63: {  	_ =	shalt  }
0x64: {  	_ =	shalt  }
0x65: {  	_ =	shalt  }
0x66: {  	_ =	shalt  }
0x67: {  	_ =	shalt  }
0x68: {  	_ =	shalt  }
0x69: {  	_ =	shalt  }
0x6a: {  	_ =	shalt  }
0x6b: {  	_ =	shalt  }
0x6c: {  	_ =	shalt  }
0x6d: {  	_ =	shalt  }
0x6e: {  	_ =	shalt  }
0x6f: {  	_ =	shalt  }
0x70: {  	_ =	shalt  }
0x71: {  	_ =	shalt  }
0x72: {  	_ =	shalt  }
0x73: {  	_ =	shalt  }
0x74: {  	_ =	shalt  }
0x75: {  	_ =	shalt  }
0x76: {  	_ =	shalt  }
0x77: {  	_ =	shalt  }
0x78: {  	_ =	shalt  }
0x79: {  	_ =	shalt  }
0x7a: {  	_ =	shalt  }
0x7b: {  	_ =	shalt  }
0x7c: {  	_ =	shalt  }
0x7d: {  	_ =	shalt  }
0x7e: {  	_ =	shalt  }
0x7f: {  	_ =	shalt  }
0x80: {  	_ =	shalt  }
0x81: {  	_ =	shalt  }
0x82: {  	_ =	shalt  }
0x83: {  	_ =	shalt  }
0x84: {  	_ =	shalt  }
0x85: {  	_ =	shalt  }
0x86: {  	_ =	shalt  }
0x87: {  	_ =	shalt  }
.Lfunc_end0:
.L_simem_size_0:
called_computation.1_lowered:
.L_overlay_start_0:
0x88: {  	s2 =	sld [smem:$0x3FD9]  }
0x89: {  	s3 =	sld [smem:$0x3FFE];
	_ =	sdelay $0x1  }
0x8a: {  	s1 =	srdreg.scid  }
0x8b: {  	s0 =	sand.u32 $0x1, s1  }
0x8c: {  	s17 =	sshll.u32 s0, $0xA;
	s2 =	sadd.s32 s3, s2  }
0x8d: {  	s2 =	sadd.s32 s2, s17  }
0x8e: {  	[smem:$0x3FC4] =	sst s2  }
0x8f: {  	_ = 	snop  }
0x90: {  	s2 =	sld [smem:$0x3FD0];
	(tm) =	ssettm $0x1  }
0x91: {  	s18 =	sld [smem:$0x3FFB];
	_ =	sdelay $0x3  }
0x92: {  	_ =	strace s18  }
0x93: {  	s3 =	sld [smem:$0x3FFC];
	_ =	sdelay $0x3  }
0x94: {  	_ =	strace s3  }
0x95: {  	s3 =	sld [smem:$0x3FFD];
	_ =	sdelay $0x3  }
0x96: {  	_ =	strace s3  }
0x97: {  	_ =	strace $0x8FFFFFFF  }
0x98: {  	s19 =	sld [smem:$0x3FDB];
	_ =	sdelay $0x1  }
0x99: {  	s4 =	simm.s32 $_scs_section_size  }
0x9a: {  	s5 =	simm.s32 $_size__tile_overlayer_lowered;
	s6 =	simm.s32 $_tile_overlayer_lowered  }
0x9b: {  	s22 =	simm.s32 $0x1BFF;
	s21 =	sshll.u32 s6, $0x1;
	s3 =	sadd.s32 s4, s19  }
0x9c: {  	s7 =	simm.s32 $0x0;
	s20 =	sshll.u32 s5, $0x1;
	s5 =	sadd.s32 s21, s3  }
0x9d: {  	[timem:s7], [sflag:s22] =	dma.local [hbm:s5], s20  }
0x9e: {  	_ =	swait.ge [sflag:s22], s20  }
0x9f: {  	s4 =	ssub.s32 $0x0, s20;
	[sflag:s22] =	ssyncset.done $0x0  }
0xa0: {  	[sflag:s22] =	ssyncadd.s32 s4;
	_ =	sdelay $0x1  }
0xa1: {  	s23 =	simm.s32 $0x1B8B  }
0xa2: {  	_ =	swait.ge [sflag:s23], $0x1  }
0xa3: {  	[sflag:s23] =	ssyncset.done $0x0  }
0xa4: {  	s25 =	simm.s32 $0x1B8E;
	s24 =	sld [smem:$0x3FFE];
	[sflag:s23] =	ssyncadd.s32 $0xFFFFFFFF  }
0xa5: {  	s26 =	simm.s32 $execute0_lowered;
	[smem:$0x3FD2] =	sst s25  }
0xa6: {  	s5 =	sshll.u32 s26, $0x1;
	_ =	strace $0x80000046;
	[dreg:$0x1] =	wrdreg $0xFFFFFFFF  }
0xa7: {  	s28 =	simm.s32 $_size_execute0_lowered;
	s3 =	sadd.s32 s3, s5;
	[dreg:$0x0] =	wrdreg $0x0  }
0xa8: {  	s5 =	sshll.u32 s28, $0x1;
	[dreg:$0x2] =	wrdreg s3  }
0xa9: {  	[dreg:$0x3] =	wrdreg s5  }
0xaa: {  	[dreg:$0x4] =	wrdreg $0xC0  }
0xab: {  	_ =	task [dreg:s7], $0x5FFFF  }
0xac: {  	[dreg:$0x1] =	wrdreg $0xFFFFFFFF  }
0xad: {  	[dreg:$0x0] =	wrdreg $0x60  }
0xae: {  	[dreg:$0x2] =	wrdreg s2  }
0xaf: {  	[dreg:$0x3] =	wrdreg s24  }
0xb0: {  	[dreg:$0x4] =	wrdreg $0x9  }
0xb1: {  	_ =	task.clear_ibuf [dreg:s7], $0x5FFFF;
	_ =	strace $0x90000046  }
0xb2: {  	s29 =	simm.s32 $0x9;
	_ =	strace $0x80000048  }
0xb3: {  	_ =	swait.ge [sflag:s29], $0x1  }
0xb4: {  	[sflag:s29] =	ssyncadd.s32 $0xFFFFFFFF  }
0xb5: {  	_ =	strace $0x90000048  }
0xb6: {  	_ =	sfence  }
0xb7: {  	s30 =	sld [smem:$0x0];
	_ =	sdelay $0x2  }
0xb8: {  	s31 =	sshll.u32 s1, $0xD;
	s1 =	sshrl.u32 s1, $0x2  }
0xb9: {  	s3 =	sand.u32 $0x4000, s31;
	s1 =	sadd.s32 s1, s30  }
0xba: {  	s0 =	sor.u32 s3, s0;
	s1 =	sshll.u32 s1, $0x11  }
0xbb: {  	s0 =	sor.u32 s1, s0  }
0xbc: {  	s0 =	sadd.s32 $0x8F2B, s0  }
0xbd: {  	[sflag:s0] =	ssyncadd.remote.s32 $0x1  }
0xbe: {  	_ =	sfence.sel $0xFFFF  }
0xbf: {  	[dreg:$0x0] =	wrdreg $0xFFFFFFFF;
	(pc) =	sbr.abs _section_cstart, $3  }
0xc0: {  	[dreg:$0x1] =	wrdreg $0xFFFFFFFF  }
0xc1: {  	_ =	task.clear_ibuf [dreg:s7], $0x2FFFF;
	_ =	strace $0x9FFFFFFF  }
0xc2: {  	(tm) =	ssettm $0x7FFFFFFF  }
0xc3: {  	_ =	shalt  }
tec
execute0_lowered:
.L_overlay_start_1:
0x0: {  	(tag) =	ssettag $0x1  }
0x1: {  	s1 =	rddreg [dreg:$0x0]  }
0x2: {  	s4 =	rddreg [dreg:$0x1]  }
0x3: {  	s0 =	rddreg [dreg:$0x2];
	s3 =	simm.s32 $0x0;
	s2 =	stileid.u32  }
0x4: {  	s5 =	srdreg.scid;
	s10 =	simm.s32 $0x2000;
	s11 =	simm.s32 $0x100  }
0x5: {  	s12 =	simm.s32 $0x3C00;
	s13 =	simm.s32 $0x180;
	s14 =	simm.s32 $0x5800  }
0x6: {  	s15 =	simm.s32 $0x200;
	s16 =	simm.s32 $0x7400;
	s17 =	simm.s32 $0x280  }
0x7: {  	s18 =	simm.s32 $0x9000;
	s19 =	simm.s32 $0x300;
	s20 =	simm.s32 $0xAC00  }
0x8: {  	s21 =	simm.s32 $0x380;
	s22 =	simm.s32 $0xC800;
	s23 =	simm.s32 $0x1  }
0x9: {  	s24 =	simm.s32 $0x0;
	[smem:$0x7FF] =	sst s3;
	s6 =	sshll.u32 s2, $0xD  }
0xa: {  	s7 =	smul.u32 $0x70000, s2;
	s5 =	sand.u32 $0x1, s5;
	_ =	strace $0x80000047  }
0xb: {  	s6 =	sadd.s32 s6, s4;
	s8 =	ssub.s32 $0x2, s5;
	s9 =	smul.u32 $0x38000, s5  }
0xc: {  	s5 =	sshll.u32 s5, $0xC;
	s4 =	sadd.s32 s7, s4;
	s30 =	sshrl.u32 s8, $0x1  }
0xd: {  	s5 =	sadd.s32 s5, s6;
	s7 =	ssub.s32 s8, s30;
	s31 =	sadd.s32 s9, s4  }
0xe: {  	s5 =	sadd.s32 $0x1000, s5;
	s8 =	simm.s32 $0x80;
	s9 =	simm.s32 $0x400  }
0xf: {  	s4 =	smax.u32 s7, $0x1;
	s6 =	sadd.s32 $0x21000, s31;
	s7 =	simm.s32 $0x2  }
.LBB2_1:
0x10: {  	s25 =	sadd.s32 $0x0, s5  }
0x11: {  	[tilespmem:s3], [sflag:$0x2] =	stream.linear.gather [hbm4b:s25+s3], $0x400, $0x38;
	[tilespmem:$0xE400] =	vst v63  }
0x12: {  	_ =	swait.ge [sflag:s7], $0x400  }
0x13: {  	[sflag:s7] =	ssyncset.done $0x0  }
0x14: {  	[sflag:s7] =	ssyncadd.s32 $0xFFFFFC00  }
0x15: {  	[tilespmem:s9], [sflag:$0x1] =	stream.indirect.gather [hbm4b:s1+s8], $0x32, s3, s8, $0xb8;
	[tilespmem:$0xE400] =	vst v63  }
0x16: {  	_ = 	snop  }
0x17: {  	[tilespmem:s10], [sflag:$0x1] =	stream.indirect.gather [hbm4b:s1+s8], $0x32, s8, s8, $0xb8;
	[tilespmem:$0xE400] =	vst v63  }
0x18: {  	_ = 	snop  }
0x19: {  	[tilespmem:s12], [sflag:$0x1] =	stream.indirect.gather [hbm4b:s1+s8], $0x32, s11, s8, $0xb8;
	[tilespmem:$0xE400] =	vst v63  }
0x1a: {  	_ = 	snop  }
0x1b: {  	[tilespmem:s14], [sflag:$0x1] =	stream.indirect.gather [hbm4b:s1+s8], $0x32, s13, s8, $0xb8;
	[tilespmem:$0xE400] =	vst v63  }
0x1c: {  	_ = 	snop  }
0x1d: {  	[tilespmem:s16], [sflag:$0x1] =	stream.indirect.gather [hbm4b:s1+s8], $0x32, s15, s8, $0xb8;
	[tilespmem:$0xE400] =	vst v63  }
0x1e: {  	_ = 	snop  }
0x1f: {  	[tilespmem:s18], [sflag:$0x1] =	stream.indirect.gather [hbm4b:s1+s8], $0x32, s17, s8, $0xb8;
	[tilespmem:$0xE400] =	vst v63  }
0x20: {  	_ = 	snop  }
0x21: {  	[tilespmem:s20], [sflag:$0x1] =	stream.indirect.gather [hbm4b:s1+s8], $0x32, s19, s8, $0xb8;
	[tilespmem:$0xE400] =	vst v63  }
0x22: {  	_ = 	snop  }
0x23: {  	[tilespmem:s22], [sflag:$0x1] =	stream.indirect.gather [hbm4b:s1+s8], $0x32, s21, s8, $0xb8;
	[tilespmem:$0xE400] =	vst v63  }
0x24: {  	_ =	swait.ge [sflag:s23], $0x1900  }
0x25: {  	[sflag:s23] =	ssyncset.done $0x0  }
0x26: {  	[sflag:s23] =	ssyncadd.s32 $0xFFFFE700  }
0x27: {  	_ =	swait.ge [sflag:s23], $0x1900  }
0x28: {  	[sflag:s23] =	ssyncset.done $0x0  }
0x29: {  	[sflag:s23] =	ssyncadd.s32 $0xFFFFE700  }
0x2a: {  	_ =	swait.ge [sflag:s23], $0x1900  }
0x2b: {  	[sflag:s23] =	ssyncset.done $0x0  }
0x2c: {  	[sflag:s23] =	ssyncadd.s32 $0xFFFFE700  }
0x2d: {  	_ =	swait.ge [sflag:s23], $0x1900  }
0x2e: {  	[sflag:s23] =	ssyncset.done $0x0  }
0x2f: {  	[sflag:s23] =	ssyncadd.s32 $0xFFFFE700  }
0x30: {  	_ =	swait.ge [sflag:s23], $0x1900  }
0x31: {  	[sflag:s23] =	ssyncset.done $0x0  }
0x32: {  	[sflag:s23] =	ssyncadd.s32 $0xFFFFE700  }
0x33: {  	_ =	swait.ge [sflag:s23], $0x1900  }
0x34: {  	[sflag:s23] =	ssyncset.done $0x0  }
0x35: {  	[sflag:s23] =	ssyncadd.s32 $0xFFFFE700  }
0x36: {  	_ =	swait.ge [sflag:s23], $0x1900  }
0x37: {  	[sflag:s23] =	ssyncset.done $0x0  }
0x38: {  	[sflag:s23] =	ssyncadd.s32 $0xFFFFE700  }
0x39: {  	_ =	swait.ge [sflag:s23], $0x1900  }
0x3a: {  	[sflag:s23] =	ssyncset.done $0x0  }
0x3b: {  	[sflag:s23] =	ssyncadd.s32 $0xFFFFE700  }
0x3c: {  	[hbm4b:s6+s3] =	stream.linear.scatter [tilespmem:s9], [sflag:$0x2], $0xE000, $0x38;
	[tilespmem:$0xE400] =	vst v63  }
0x3d: {  	s26 =	simm.s32 $0x80;
	_ =	swait.ge [sflag:s7], $0xE000  }
0x3e: {  	s29 =	simm.s32 $0x100;
	s25 =	sadd.s32 $0x1C00, s6;
	[sflag:s7] =	ssyncset.done $0x0  }
.LBB2_2:
0x3f: {  	s30 =	sadd.s32 s26, s5  }
0x40: {  	[sflag:s7] =	ssyncadd.s32 $0xFFFF2000;
	s26 =	smov.u32 s29;
	s28 =	sadd.s32 $0x80, s29  }
0x41: {  	[tilespmem:s3], [sflag:$0x2] =	stream.linear.gather [hbm4b:s30+s3], $0x400, $0x38;
	[tilespmem:$0xE400] =	vst v63  }
0x42: {  	p0 =	sne.s32 s29, $0xF80;
	_ =	swait.ge [sflag:s7], $0x400  }
0x43: {  	[sflag:s7] =	ssyncset.done $0x0  }
0x44: {  	[sflag:s7] =	ssyncadd.s32 $0xFFFFFC00  }
0x45: {  	[tilespmem:s9], [sflag:$0x1] =	stream.indirect.gather [hbm4b:s1+s8], $0x32, s3, s8, $0xb8;
	[tilespmem:$0xE400] =	vst v63  }
0x46: {  	_ = 	snop  }
0x47: {  	[tilespmem:s10], [sflag:$0x1] =	stream.indirect.gather [hbm4b:s1+s8], $0x32, s8, s8, $0xb8;
	[tilespmem:$0xE400] =	vst v63  }
0x48: {  	_ = 	snop  }
0x49: {  	[tilespmem:s12], [sflag:$0x1] =	stream.indirect.gather [hbm4b:s1+s8], $0x32, s11, s8, $0xb8;
	[tilespmem:$0xE400] =	vst v63  }
0x4a: {  	_ = 	snop  }
0x4b: {  	[tilespmem:s14], [sflag:$0x1] =	stream.indirect.gather [hbm4b:s1+s8], $0x32, s13, s8, $0xb8;
	[tilespmem:$0xE400] =	vst v63  }
0x4c: {  	_ = 	snop  }
0x4d: {  	[tilespmem:s16], [sflag:$0x1] =	stream.indirect.gather [hbm4b:s1+s8], $0x32, s15, s8, $0xb8;
	[tilespmem:$0xE400] =	vst v63  }
0x4e: {  	_ = 	snop  }
0x4f: {  	[tilespmem:s18], [sflag:$0x1] =	stream.indirect.gather [hbm4b:s1+s8], $0x32, s17, s8, $0xb8;
	[tilespmem:$0xE400] =	vst v63  }
0x50: {  	_ = 	snop  }
0x51: {  	[tilespmem:s20], [sflag:$0x1] =	stream.indirect.gather [hbm4b:s1+s8], $0x32, s19, s8, $0xb8;
	[tilespmem:$0xE400] =	vst v63  }
0x52: {  	_ = 	snop  }
0x53: {  	[tilespmem:s22], [sflag:$0x1] =	stream.indirect.gather [hbm4b:s1+s8], $0x32, s21, s8, $0xb8;
	[tilespmem:$0xE400] =	vst v63  }
0x54: {  	_ =	swait.ge [sflag:s23], $0x1900  }
0x55: {  	[sflag:s23] =	ssyncset.done $0x0  }
0x56: {  	[sflag:s23] =	ssyncadd.s32 $0xFFFFE700  }
0x57: {  	_ =	swait.ge [sflag:s23], $0x1900  }
0x58: {  	[sflag:s23] =	ssyncset.done $0x0  }
0x59: {  	[sflag:s23] =	ssyncadd.s32 $0xFFFFE700  }
0x5a: {  	_ =	swait.ge [sflag:s23], $0x1900  }
0x5b: {  	[sflag:s23] =	ssyncset.done $0x0  }
0x5c: {  	[sflag:s23] =	ssyncadd.s32 $0xFFFFE700  }
0x5d: {  	_ =	swait.ge [sflag:s23], $0x1900  }
0x5e: {  	[sflag:s23] =	ssyncset.done $0x0  }
0x5f: {  	[sflag:s23] =	ssyncadd.s32 $0xFFFFE700  }
0x60: {  	_ =	swait.ge [sflag:s23], $0x1900  }
0x61: {  	[sflag:s23] =	ssyncset.done $0x0  }
0x62: {  	[sflag:s23] =	ssyncadd.s32 $0xFFFFE700  }
0x63: {  	_ =	swait.ge [sflag:s23], $0x1900  }
0x64: {  	[sflag:s23] =	ssyncset.done $0x0  }
0x65: {  	[sflag:s23] =	ssyncadd.s32 $0xFFFFE700  }
0x66: {  	_ =	swait.ge [sflag:s23], $0x1900  }
0x67: {  	[sflag:s23] =	ssyncset.done $0x0  }
0x68: {  	[sflag:s23] =	ssyncadd.s32 $0xFFFFE700  }
0x69: {  	_ =	swait.ge [sflag:s23], $0x1900  }
.Ltmp0:
0x6a: {  	[sflag:s23] =	ssyncset.done $0x0;
	(pc) =	sbr.rel @p0 .LBB2_2-.Ltmp0, $4  }
0x6b: {  	[sflag:s23] =	ssyncadd.s32 $0xFFFFE700  }
0x6c: {  	[hbm4b:s25+s3] =	stream.linear.scatter [tilespmem:s9], [sflag:$0x2], $0xE000, $0x38;
	[tilespmem:$0xE400] =	vst v63  }
0x6d: {  	_ =	swait.ge [sflag:s7], $0xE000  }
0x6e: {  	s29 =	smov.u32 s28;
	s25 =	sadd.s32 $0x1C00, s25;
	[sflag:s7] =	ssyncset.done $0x0  }
0x6f: {  	s26 =	sadd.s32 s26, s5;
	[sflag:s7] =	ssyncadd.s32 $0xFFFF2000  }
0x70: {  	[tilespmem:s3], [sflag:$0x2] =	stream.linear.gather [hbm4b:s26+s3], $0x400, $0x38;
	[tilespmem:$0xE400] =	vst v63  }
0x71: {  	_ =	swait.ge [sflag:s7], $0x400  }
0x72: {  	[sflag:s7] =	ssyncset.done $0x0  }
0x73: {  	[sflag:s7] =	ssyncadd.s32 $0xFFFFFC00  }
0x74: {  	[tilespmem:s9], [sflag:$0x1] =	stream.indirect.gather [hbm4b:s1+s8], $0x32, s3, s8, $0xb8;
	[tilespmem:$0xE400] =	vst v63  }
0x75: {  	_ = 	snop  }
0x76: {  	[tilespmem:s10], [sflag:$0x1] =	stream.indirect.gather [hbm4b:s1+s8], $0x32, s8, s8, $0xb8;
	[tilespmem:$0xE400] =	vst v63  }
0x77: {  	_ = 	snop  }
0x78: {  	[tilespmem:s12], [sflag:$0x1] =	stream.indirect.gather [hbm4b:s1+s8], $0x32, s11, s8, $0xb8;
	[tilespmem:$0xE400] =	vst v63  }
0x79: {  	_ = 	snop  }
0x7a: {  	[tilespmem:s14], [sflag:$0x1] =	stream.indirect.gather [hbm4b:s1+s8], $0x32, s13, s8, $0xb8;
	[tilespmem:$0xE400] =	vst v63  }
0x7b: {  	_ = 	snop  }
0x7c: {  	[tilespmem:s16], [sflag:$0x1] =	stream.indirect.gather [hbm4b:s1+s8], $0x32, s15, s8, $0xb8;
	[tilespmem:$0xE400] =	vst v63  }
0x7d: {  	_ = 	snop  }
0x7e: {  	[tilespmem:s18], [sflag:$0x1] =	stream.indirect.gather [hbm4b:s1+s8], $0x32, s17, s8, $0xb8;
	[tilespmem:$0xE400] =	vst v63  }
0x7f: {  	_ = 	snop  }
0x80: {  	[tilespmem:s20], [sflag:$0x1] =	stream.indirect.gather [hbm4b:s1+s8], $0x32, s19, s8, $0xb8;
	[tilespmem:$0xE400] =	vst v63  }
0x81: {  	_ = 	snop  }
0x82: {  	[tilespmem:s22], [sflag:$0x1] =	stream.indirect.gather [hbm4b:s1+s8], $0x32, s21, s8, $0xb8;
	[tilespmem:$0xE400] =	vst v63  }
0x83: {  	_ =	swait.ge [sflag:s23], $0x1900  }
0x84: {  	[sflag:s23] =	ssyncset.done $0x0  }
0x85: {  	[sflag:s23] =	ssyncadd.s32 $0xFFFFE700  }
0x86: {  	_ =	swait.ge [sflag:s23], $0x1900  }
0x87: {  	[sflag:s23] =	ssyncset.done $0x0  }
0x88: {  	[sflag:s23] =	ssyncadd.s32 $0xFFFFE700  }
0x89: {  	_ =	swait.ge [sflag:s23], $0x1900  }
0x8a: {  	[sflag:s23] =	ssyncset.done $0x0  }
0x8b: {  	[sflag:s23] =	ssyncadd.s32 $0xFFFFE700  }
0x8c: {  	_ =	swait.ge [sflag:s23], $0x1900  }
0x8d: {  	[sflag:s23] =	ssyncset.done $0x0  }
0x8e: {  	[sflag:s23] =	ssyncadd.s32 $0xFFFFE700  }
0x8f: {  	_ =	swait.ge [sflag:s23], $0x1900  }
0x90: {  	[sflag:s23] =	ssyncset.done $0x0  }
0x91: {  	[sflag:s23] =	ssyncadd.s32 $0xFFFFE700  }
0x92: {  	_ =	swait.ge [sflag:s23], $0x1900  }
0x93: {  	[sflag:s23] =	ssyncset.done $0x0  }
0x94: {  	[sflag:s23] =	ssyncadd.s32 $0xFFFFE700  }
0x95: {  	_ =	swait.ge [sflag:s23], $0x1900  }
0x96: {  	[sflag:s23] =	ssyncset.done $0x0  }
0x97: {  	[sflag:s23] =	ssyncadd.s32 $0xFFFFE700  }
0x98: {  	s24 =	sadd.s32 $0x1, s24;
	_ =	swait.ge [sflag:s23], $0x1900  }
0x99: {  	p0 =	sne.s32 s24, s4;
	[sflag:s23] =	ssyncset.done $0x0  }
.Ltmp1:
0x9a: {  	[sflag:s23] =	ssyncadd.s32 $0xFFFFE700;
	(pc) =	sbr.rel @p0 .LBB2_1-.Ltmp1, $4  }
0x9b: {  	[hbm4b:s25+s3] =	stream.linear.scatter [tilespmem:s9], [sflag:$0x2], $0xE000, $0x38;
	[tilespmem:$0xE400] =	vst v63  }
0x9c: {  	_ =	swait.ge [sflag:s7], $0xE000  }
0x9d: {  	[sflag:s7] =	ssyncset.done $0x0  }
0x9e: {  	[sflag:s7] =	ssyncadd.s32 $0xFFFF2000  }
0x9f: {  	_ =	sfence.sel $0x180000  }
0xa0: {  	[bflag:$0x0] =	sbarrier.arrive $0xFFFF  }
0xa1: {  	p0 =	sne.s32 s2, $0x0;
	_ =	strace $0x90000047  }
0xa2: {  	s0 =	sadd.s32 @!p0 $0x100000, s0;
	[bflag:$0x2] =	sbarrier.arrive $0xFFFF  }
0xa3: {  	[sflag:s0] =	ssyncadd.tile.s32 @!p0 $0x1;
	_ =	shalt  }
.Lfunc_end2:
_tile_overlayer_lowered:
.L_overlay_start_2:
0xa4: {  	(tag) =	ssettag $0x2  }
0xa5: {  	s0 =	rddreg [dreg:$0x0];
	s2 =	stileid.u32  }
0xa6: {  	s1 =	rddreg [dreg:$0x1];
	p0 =	sne.s32 s2, $0x0  }
0xa7: {  	s3 =	rddreg [dreg:$0x2];
	[bflag:$0x3] =	sbarrier.arrive $0xFFFF;
	s2 =	simm.s32 @!p0 $0x1C02  }
0xa8: {  	[timem:s3], [sflag:s2] =	dma.local @!p0 [hbm:s0], s1  }
0xa9: {  	s0 =	simm.s32 @!p0 $0x2  }
0xaa: {  	_ =	swait.ge @!p0 [sflag:s0], s1  }
0xab: {  	s1 =	ssub.s32 @!p0 $0x0, s1;
	[sflag:s0] =	ssyncset.done @!p0 $0x0  }
0xac: {  	[sflag:s0] =	ssyncadd.s32 @!p0 s1  }
0xad: {  	[bflag:$0x3] =	sbarrier.arrive $0xFFFF  }
0xae: {  	_ =	shalt  }

// kernel: sparse-core-data-format-call.cloned.1.call-start
scs
called_computation_lowered:
.L_overlay_start_0:
0x0: {  	s2 =	sld [smem:$0x3FD9]  }
0x1: {  	s3 =	sld [smem:$0x3FFE];
	_ =	sdelay $0x1  }
0x2: {  	s1 =	srdreg.scid  }
0x3: {  	s0 =	sand.u32 $0x1, s1  }
0x4: {  	s18 =	sshll.u32 s0, $0xA;
	s2 =	sadd.s32 s3, s2  }
0x5: {  	s2 =	sadd.s32 s2, s18  }
0x6: {  	[smem:$0x3FC4] =	sst s2  }
0x7: {  	_ = 	snop  }
0x8: {  	s2 =	sld [smem:$0x3FD0];
	(tm) =	ssettm $0x1  }
0x9: {  	s19 =	sld [smem:$0x3FFB];
	_ =	sdelay $0x3  }
0xa: {  	_ =	strace s19  }
0xb: {  	s3 =	sld [smem:$0x3FFC];
	_ =	sdelay $0x3  }
0xc: {  	_ =	strace s3  }
0xd: {  	s3 =	sld [smem:$0x3FFD];
	_ =	sdelay $0x3  }
0xe: {  	_ =	strace s3  }
0xf: {  	_ =	strace $0x8FFFFFFF  }
0x10: {  	s20 =	sld [smem:$0x3FDB];
	_ =	sdelay $0x1  }
0x11: {  	s4 =	simm.s32 $_scs_section_size  }
0x12: {  	s5 =	simm.s32 $_size__tile_overlayer_lowered;
	s6 =	simm.s32 $_tile_overlayer_lowered  }
0x13: {  	s23 =	simm.s32 $0x1BFF;
	s22 =	sshll.u32 s6, $0x1;
	s3 =	sadd.s32 s4, s20  }
0x14: {  	s7 =	simm.s32 $0x0;
	s21 =	sshll.u32 s5, $0x1;
	s5 =	sadd.s32 s22, s3  }
0x15: {  	[timem:s7], [sflag:s23] =	dma.local [hbm:s5], s21  }
0x16: {  	_ =	swait.ge [sflag:s23], s21  }
0x17: {  	s4 =	ssub.s32 $0x0, s21;
	[sflag:s23] =	ssyncset.done $0x0  }
0x18: {  	[sflag:s23] =	ssyncadd.s32 s4;
	_ =	sdelay $0x1  }
0x19: {  	s24 =	simm.s32 $0x1B8B  }
0x1a: {  	_ =	swait.ge [sflag:s24], $0x1  }
0x1b: {  	[sflag:s24] =	ssyncset.done $0x0  }
0x1c: {  	s26 =	simm.s32 $0x1B8E;
	s25 =	sld [smem:$0x3FFE];
	[sflag:s24] =	ssyncadd.s32 $0xFFFFFFFF  }
0x1d: {  	s27 =	simm.s32 $execute0_lowered;
	[smem:$0x3FD2] =	sst s26  }
0x1e: {  	s5 =	sshll.u32 s27, $0x1;
	_ =	strace $0x80000049;
	[dreg:$0x1] =	wrdreg $0xFFFFFFFF  }
0x1f: {  	s28 =	simm.s32 $_size_execute0_lowered;
	s3 =	sadd.s32 s3, s5;
	[dreg:$0x0] =	wrdreg $0x0  }
0x20: {  	s5 =	sshll.u32 s28, $0x1;
	[dreg:$0x2] =	wrdreg s3  }
0x21: {  	[dreg:$0x3] =	wrdreg s5  }
0x22: {  	[dreg:$0x4] =	wrdreg $0xC0  }
0x23: {  	_ =	task [dreg:s7], $0x5FFFF  }
0x24: {  	[dreg:$0x1] =	wrdreg $0xFFFFFFFF  }
0x25: {  	[dreg:$0x0] =	wrdreg $0x60  }
0x26: {  	[dreg:$0x2] =	wrdreg s25  }
0x27: {  	[dreg:$0x3] =	wrdreg s2  }
0x28: {  	[dreg:$0x4] =	wrdreg $0x9  }
0x29: {  	_ =	task.clear_ibuf [dreg:s7], $0x5FFFF;
	_ =	strace $0x90000049  }
0x2a: {  	s29 =	simm.s32 $0x9;
	_ =	strace $0x8000004B  }
0x2b: {  	_ =	swait.ge [sflag:s29], $0x1  }
0x2c: {  	[sflag:s29] =	ssyncadd.s32 $0xFFFFFFFF  }
0x2d: {  	_ =	strace $0x9000004B  }
0x2e: {  	_ =	sfence  }
0x2f: {  	s30 =	sld [smem:$0x0];
	_ =	sdelay $0x2  }
0x30: {  	s31 =	sshll.u32 s1, $0xD;
	s1 =	sshrl.u32 s1, $0x2  }
0x31: {  	s3 =	sand.u32 $0x4000, s31;
	s1 =	sadd.s32 s1, s30  }
0x32: {  	s0 =	sor.u32 s3, s0;
	s1 =	sshll.u32 s1, $0x11  }
0x33: {  	s0 =	sor.u32 s1, s0  }
0x34: {  	s0 =	sadd.s32 $0x8F2B, s0  }
0x35: {  	[sflag:s0] =	ssyncadd.remote.s32 $0x1  }
0x36: {  	_ =	sfence.sel $0xFFFF  }
0x37: {  	[dreg:$0x0] =	wrdreg $0xFFFFFFFF;
	(pc) =	sbr.abs _section_cstart, $3  }
0x38: {  	[dreg:$0x1] =	wrdreg $0xFFFFFFFF  }
0x39: {  	_ =	task.clear_ibuf [dreg:s7], $0x2FFFF;
	_ =	strace $0x9FFFFFFF  }
0x3a: {  	(tm) =	ssettm $0x7FFFFFFF  }
0x3b: {  	_ =	shalt  }
tec
execute0_lowered:
.L_overlay_start_1:
0x0: {  	(tag) =	ssettag $0x1  }
0x1: {  	s0 =	srdreg.scid;
	s5 =	rddreg [dreg:$0x0]  }
0x2: {  	s3 =	rddreg [dreg:$0x1];
	s1 =	sshll.u32 s0, $0x4  }
0x3: {  	s7 =	simm.s32 $0x1;
	s0 =	stileid.u32;
	s1 =	sand.u32 $0x10, s1  }
0x4: {  	s8 =	simm.s32 $0x2;
	s14 =	simm.s32 $0x0;
	s1 =	sor.u32 s0, s1  }
0x5: {  	s15 =	simm.s32 $0x0;
	s9 =	simm.s32 $0x0;
	s2 =	sshll.u32 s1, $0x1  }
0x6: {  	s10 =	simm.s32 $0x0;
	s11 =	simm.s32 $0x0;
	s6 =	ssub.s32 $0x400, s2  }
0x7: {  	s13 =	simm.s32 $0x0;
	s5 =	sadd.s32 $0x1721000, s5;
	s4 =	sand.u32 $0x3E, s6  }
.Ltmp0:
0x8: {  	s1 =	rddreg [dreg:$0x2];
	p0 =	sne.s32 s4, $0x0;
	(pc) =	sbr.rel .LBB1_1-.Ltmp0, $4  }
0x9: {  	_ =	strace $0x8000004A;
	s6 =	sshrl.u32 s6, $0x6;
	s7 =	simm.s32 @!p0 $0x0  }
0xa: {  	s12 =	smov.u32 s2;
	s4 =	simm.s32 $0x1;
	s6 =	sadd.s32 s7, s6  }
0xb: {  	[sflag:s4] =	ssyncpa.u1 $0x0;
	p0 =	por $0x0, $0x0;
	s6 =	sshll.u32 s6, $0x3  }
0xc: {  	[sflag:s8] =	ssyncpa.u1 $0x0;
	s8 =	simm.s32 $0x80000;
	s7 =	sor.u32 $0x1, s6  }
.LBB1_4:
0xd: {  	p1 =	sgt.s32 s10, $0x3FE;
	s19 =	smov.u32 s10  }
0xe: {  	s20 =	sshra.s32 s10, $0x1F;
	s21 =	sshll.u32 s10, $0xA;
	s31 =	sshll.u32 s9, $0x3  }
0xf: {  	s23 =	smov.u32 s9;
	s24 =	sshra.s32 s9, $0x1F;
	s25 =	sshll.u32 s9, $0x1  }
0x10: {  	s19 =	simm.s32 @!p1 $0x3FE;
	s20 =	sand.u32 s20, s10;
	s30 =	sand.u32 $0xFE000, s21  }
0x11: {  	[tilespmem:s16+$0x1830 ss:$0x81] =	vst.msk $0xffff, v13;
	v8 =	vpack.i.b32.b16 v9, v8;
	p1 =	sgt.s32 s9, $0x380;
	s24 =	sand.u32 s24, s9;
	s19 =	ssub.s32 s19, s20  }
0x12: {  	v51 =	vpack.i.b32.b16 v12, v11;
	[tilespmem:s16+$0x1831 ss:$0x81] =	vst.msk $0xffff, v8;
	s23 =	simm.s32 @!p1 $0x380;
	s22 =	sadd.s32 $0xFFFFFC02, s19;
	s19 =	ssub.s32 $0x400, s19  }
0x13: {  	v52 =	vunpack.i.l.s16.s32 v4;
	v53 =	vunpack.i.l.s16.s32 v6;
	v7 =	vpack.i.b32.b16 v10, v7;
	[tilespmem:s16+$0x2040 ss:$0x81] =	vst.msk $0xffff, v51;
	s19 =	smul.u32 $0x64, s19;
	p1 =	sgt.s32 s22, $0x1;
	s22 =	ssub.s32 s23, s24  }
0x14: {  	v57 =	vunpack.i.l.s16.s32 v5;
	v56 =	vpack.i.b32.b16 v53, v52;
	s20 =	sadd.s32 s30, s31;
	[tilespmem:s16+$0x2041 ss:$0x81] =	vst.msk $0xffff, v7;
	s24 =	sshll.u32 s10, $0x7;
	s23 =	sadd.s32 $0xFFFFFC80, s22  }
0x15: {  	v54 =	vunpack.i.u.s16.s32 v4;
	v55 =	vunpack.i.u.s16.s32 v6;
	v1 =	vpack.i.b32.b16 v1, v57;
	[tilespmem:s16+$0x2850 ss:$0x81] =	vst.msk $0xffff, v56;
	s21 =	ssub.s32 $0x400, s22;
	s19 =	simm.s32 @p1 $0x0;
	p1 =	sgt.s32 s23, $0x7F  }
0x16: {  	v58 =	vunpack.i.u.s16.s32 v5;
	v4 =	vpack.i.b32.b16 v55, v54;
	[tilespmem:s16+$0x0 ss:$0x81] =	vst.msk $0xffff, v1;
	s22 =	sand.u32 $0x300, s24;
	s23 =	sand.u32 $0xF0, s25;
	s21 =	simm.s32 @p1 $0x0  }
0x17: {  	v59 =	vunpack.i.l.s16.s32 v2;
	v60 =	vunpack.i.l.s16.s32 v3;
	v0 =	vpack.i.b32.b16 v0, v58;
	[tilespmem:s16+$0x2851 ss:$0x81] =	vst.msk $0xffff, v4;
	s27 =	sand.u32 $0xFFC00, s20;
	s28 =	sor.u32 s22, s23;
	s26 =	smul.u32 s21, s19  }
0x18: {  	v61 =	vunpack.i.u.s16.s32 v2;
	v62 =	vunpack.i.u.s16.s32 v3;
	s29 =	sand.u32 $0x7, s9;
	v1 =	vpack.i.b32.b16 v60, v59;
	[tilespmem:s18+$0x1 ss:$0x81] =	vst.msk $0xffff, v0;
	s19 =	sor.u32 s27, s28  }
0x19: {  	v63 =	vpack.i.b32.b16 v62, v61;
	[tilespmem:s18+$0x3060 ss:$0x81] =	vst.msk $0xffff, v1;
	s20 =	sshll.u32 s29, $0x12;
	s19 =	sshrl.u32 s19, $0x4;
	s16 =	sshrl.u32 s26, $0x1  }
0x1a: {  	[tilespmem:s18+$0x3061 ss:$0x81] =	vst.msk $0xffff, v63;
	s31 =	sor.u32 $0x80, s20;
	s30 =	sadd.s32 s3, s19;
	s16 =	sand.u32 $0x3FFFFFFE, s16  }
0x1b: {  	[hbm4b:s30+s31] =	stream.strided.scatter [tilespmem:s17], [sflag:$0x2], s16, s8, s31, $0x20;
	[tilespmem:$0x10100] =	vst v63  }
.LBB1_5:
0x1c: {  	p1 =	slt.u32 s13, $0x2  }
0x1d: {  	s17 =	smov.u32 s15;
	p2 =	sgt.s32 @!p1 s15, $0x3FE;
	s16 =	sshra.s32 @!p1 s15, $0x1F  }
0x1e: {  	p3 =	sgt.s32 @!p1 s14, $0x380;
	s18 =	sshra.s32 @!p1 s14, $0x1F;
	p2 =	por !p2, p1  }
0x1f: {  	s15 =	sand.u32 @!p1 s16, s15;
	p3 =	por !p3, p1;
	s16 =	smov.u32 s14  }
0x20: {  	s14 =	sand.u32 @!p1 s18, s14;
	s17 =	simm.s32 @p2 $0x3FE;
	s16 =	simm.s32 @p3 $0x380  }
0x21: {  	s18 =	smov.u32 s12;
	s15 =	ssub.s32 @!p1 s17, s15;
	s14 =	ssub.s32 @!p1 s16, s14  }
0x22: {  	s16 =	sadd.s32 @!p1 $0xFFFFFC02, s15;
	s15 =	ssub.s32 @!p1 $0x400, s15;
	s17 =	sadd.s32 @!p1 $0xFFFFFC80, s14  }
0x23: {  	p2 =	sgt.s32 @!p1 s16, $0x1;
	s15 =	smul.u32 @!p1 $0x64, s15;
	p3 =	sgt.s32 @!p1 s17, $0x7F  }
0x24: {  	s14 =	ssub.s32 @!p1 $0x400, s14;
	p2 =	por !p2, p1;
	p3 =	por !p3, p1  }
0x25: {  	s16 =	sadd.s32 $0x80, s11;
	s15 =	simm.s32 @!p2 $0x0;
	s14 =	simm.s32 @!p3 $0x0  }
0x26: {  	p2 =	sgt.s32 s16, $0x3FF;
	s14 =	smul.u32 @!p1 s14, s15;
	s15 =	sadd.s32 $0x40, s12  }
0x27: {  	s18 =	smov.u32 @p2 s15  }
0x28: {  	s16 =	simm.s32 @p2 $0x0;
	p2 =	sgt.s32 s18, $0x3FF  }
0x29: {  	p0 =	por !p0, !p0;
	s18 =	smov.u32 @p2 s2;
	p2 =	sne.s32 s13, s7  }
.Ltmp1:
0x2a: {  	s17 =	simm.s32 @!p1 $0x2;
	s14 =	sshrl.u32 @!p1 s14, $0x1;
	(pc) =	sbr.rel @!p2 .LBB1_6-.Ltmp1, $4  }
0x2b: {  	s15 =	smov.u32 s10;
	s10 =	smov.u32 s12;
	s14 =	sand.u32 @!p1 $0x3FFFFFFE, s14  }
0x2c: {  	s13 =	sadd.s32 $0x1, s13;
	_ =	swait.ge @!p1 [sflag:s17], s14;
	s19 =	ssub.s32 @!p1 $0x0, s14  }
0x2d: {  	s14 =	smov.u32 s9;
	s9 =	smov.u32 s11;
	[sflag:s17] =	ssyncset.done @!p1 $0x0  }
0x2e: {  	s11 =	smov.u32 s16;
	s12 =	smov.u32 s18;
	[sflag:s17] =	ssyncadd.s32 @!p1 s19  }
.LBB1_1:
0x2f: {  	p1 =	sge.u32 s13, s6  }
0x30: {  	s16 =	sshll.u32 @!p1 s12, $0xD;
	s17 =	sshll.u32 @!p1 s11, $0x3  }
0x31: {  	s18 =	sxor.u32 @!p1 $0xFFFFFFFF, s13;
	s17 =	sand.u32 @!p1 $0x1FF0, s17;
	s16 =	sadd.s32 @!p1 s5, s16  }
0x32: {  	s31 =	sadd.s32 $0xFFFFFFFF, s13;
	s16 =	sadd.s32 @!p1 s17, s16;
	s17 =	sshll.u32 @!p1 s18, $0xE  }
0x33: {  	s19 =	simm.s32 @!p1 $0x10000;
	s18 =	simm.s32 @!p1 $0x2000;
	s17 =	sand.u32 @!p1 $0x4000, s17  }
0x34: {  	[tilespmem:s17], [sflag:$0x1] =	stream.strided.gather @!p1 [hbm4b:s16+s18], $0x4000, s19, s18, $0x38;
	[tilespmem:$0x10100] =	vst v63  }
0x35: {  	p1 =	sge.u32 s31, s6  }
.Ltmp2:
0x36: {  	_ = 	snop;
	(pc) =	sbr.rel @p1 .LBB1_5-.Ltmp2, $1  }
0x37: {  	_ =	sdelay $0x3  }
0x38: {  	s16 =	simm.s32 $0x1  }
0x39: {  	_ =	swait.ge [sflag:s4], $0x4000;
	s16 =	simm.s32 @!p0 $0x0  }
0x3a: {  	[sflag:s4] =	ssyncset.done $0x0;
	s17 =	sshll.u32 s16, $0xE  }
0x3b: {  	[sflag:s4] =	ssyncadd.s32 $0xFFFFC000;
	s18 =	sor.u32 $0x2000, s17  }
0x3c: {  	v0 =	vld [tilespmem:s18+$0xFFFFE070]  }
0x3d: {  	v1 =	vld [tilespmem:s18+$0x70]  }
0x3e: {  	v2 =	vld [tilespmem:s18+$0x0]  }
0x3f: {  	v6 =	vld [tilespmem:s18+$0x20]  }
0x40: {  	v3 =	vld [tilespmem:s18+$0xFFFFE010]  }
0x41: {  	v4 =	vld [tilespmem:s18+$0x10]  }
0x42: {  	s16 =	smul.u32 $0x10200, s16;
	v5 =	vld [tilespmem:s18+$0xFFFFE020];
	v7 =	vunpack.i.l.s16.s32 v0;
	v8 =	vunpack.i.l.s16.s32 v1  }
0x43: {  	v9 =	vld [tilespmem:s18+$0xFFFFE030];
	v10 =	vunpack.i.u.s16.s32 v0;
	v11 =	vunpack.i.u.s16.s32 v1;
	v0 =	vunpack.i.u.s16.s32 v2  }
0x44: {  	s16 =	sshrl.u32 s16, $0x2;
	v1 =	vunpack.i.l.s16.s32 v2;
	v2 =	vld [tilespmem:s18+$0x30];
	v13 =	vunpack.i.u.s16.s32 v6;
	v15 =	vunpack.i.l.s16.s32 v6  }
0x45: {  	v12 =	vld [tilespmem:s18+$0xFFFFE040];
	s16 =	sor.u32 $0x8000, s16;
	v7 =	vpack.i.b32.b16 v8, v7;
	v8 =	vpack.i.b32.b16 v11, v10;
	v10 =	vunpack.i.u.s16.s32 v3  }
0x46: {  	v14 =	vld [tilespmem:s18+$0x40];
	v3 =	vunpack.i.l.s16.s32 v3;
	v11 =	vunpack.i.u.s16.s32 v4;
	v4 =	vunpack.i.l.s16.s32 v4;
	[tilespmem:s16+$0x3870 ss:$0x81] =	vst.msk $0xffff, v7  }
0x47: {  	s31 =	sand.u32 $0x1, s13;
	v7 =	vunpack.i.u.s16.s32 v5;
	v5 =	vunpack.i.l.s16.s32 v5;
	v3 =	vpack.i.b32.b16 v4, v3;
	v4 =	vld [tilespmem:s18+$0xFFFFE050];
	[tilespmem:s16+$0x3871 ss:$0x81] =	vst.msk $0xffff, v8  }
0x48: {  	s17 =	smul.u32 $0x10200, s31;
	v6 =	vld [tilespmem:s18+$0x50];
	[tilespmem:s16+$0x810 ss:$0x81] =	vst.msk $0xffff, v3;
	v3 =	vpack.i.b32.b16 v11, v10;
	v8 =	vunpack.i.u.s16.s32 v9;
	v10 =	vunpack.i.l.s16.s32 v9  }
0x49: {  	[tilespmem:s16+$0x811 ss:$0x81] =	vst.msk $0xffff, v3;
	v3 =	vpack.i.b32.b16 v15, v5;
	v9 =	vunpack.i.u.s16.s32 v2;
	v15 =	vunpack.i.l.s16.s32 v2;
	v2 =	vld [tilespmem:s18+$0xFFFFE060]  }
0x4a: {  	s19 =	simm.s32 $0x0;
	s17 =	sshrl.u32 s17, $0x2;
	v13 =	vpack.i.b32.b16 v13, v7;
	v7 =	vunpack.i.u.s16.s32 v12;
	v11 =	vunpack.i.l.s16.s32 v12;
	[tilespmem:s16+$0x1020 ss:$0x81] =	vst.msk $0xffff, v3;
	v3 =	vld [tilespmem:s18+$0x60]  }
0x4b: {  	s20 =	sadd.s32 $0x80, s18;
	s17 =	sor.u32 $0x8000, s17;
	v12 =	vunpack.i.l.s16.s32 v14;
	v5 =	vld [tilespmem:s18+$0xFFFFE000];
	s18 =	smov.u32 s16;
	[tilespmem:s16+$0x1021 ss:$0x81] =	vst.msk $0xffff, v13;
	v13 =	vpack.i.b32.b16 v15, v10;
	v10 =	vunpack.i.u.s16.s32 v14  }
.LBB1_3:
0x4c: {  	v14 =	vld [tilespmem:s20+$0xFFFFE070];
	[tilespmem:s16+$0x1830 ss:$0x81] =	vst.msk $0xffff, v13;
	v8 =	vpack.i.b32.b16 v9, v8;
	v9 =	vunpack.i.u.s16.s32 v4;
	v4 =	vunpack.i.l.s16.s32 v4  }
0x4d: {  	v13 =	vld [tilespmem:s20+$0x70];
	[tilespmem:s16+$0x1831 ss:$0x81] =	vst.msk $0xffff, v8;
	v8 =	vpack.i.b32.b16 v12, v11;
	v11 =	vunpack.i.u.s16.s32 v6;
	v6 =	vunpack.i.l.s16.s32 v6  }
0x4e: {  	s19 =	sadd.s32 $0x2, s19;
	v7 =	vpack.i.b32.b16 v10, v7;
	v12 =	vld [tilespmem:s20+$0x0];
	[tilespmem:s16+$0x2040 ss:$0x81] =	vst.msk $0xffff, v8;
	v8 =	vunpack.i.u.s16.s32 v2;
	v2 =	vunpack.i.l.s16.s32 v2  }
0x4f: {  	p1 =	slt.u32 s19, $0x7E;
	v4 =	vpack.i.b32.b16 v6, v4;
	v6 =	vunpack.i.u.s16.s32 v3;
	v3 =	vunpack.i.l.s16.s32 v3;
	v10 =	vld [tilespmem:s20+$0xFFFFE010];
	[tilespmem:s16+$0x2041 ss:$0x81] =	vst.msk $0xffff, v7  }
0x50: {  	v15 =	vunpack.i.u.s16.s32 v5;
	v5 =	vunpack.i.l.s16.s32 v5;
	v7 =	vld [tilespmem:s20+$0x10];
	[tilespmem:s16+$0x2850 ss:$0x81] =	vst.msk $0xffff, v4;
	v4 =	vpack.i.b32.b16 v11, v9  }
0x51: {  	v1 =	vpack.i.b32.b16 v1, v5;
	v0 =	vpack.i.b32.b16 v0, v15;
	v2 =	vpack.i.b32.b16 v3, v2;
	v9 =	vld [tilespmem:s20+$0xFFFFE020];
	[tilespmem:s16+$0x2851 ss:$0x81] =	vst.msk $0xffff, v4  }
0x52: {  	v6 =	vpack.i.b32.b16 v6, v8;
	v4 =	vunpack.i.l.s16.s32 v14;
	v3 =	vld [tilespmem:s20+$0x20];
	v5 =	vunpack.i.l.s16.s32 v13;
	[tilespmem:s16+$0x0 ss:$0x81] =	vst.msk $0xffff, v1  }
0x53: {  	v8 =	vunpack.i.u.s16.s32 v14;
	v13 =	vunpack.i.u.s16.s32 v13;
	s16 =	sadd.s32 $0x2, s16;
	v11 =	vld [tilespmem:s20+$0xFFFFE030];
	v4 =	vpack.i.b32.b16 v5, v4;
	[tilespmem:s18+$0x1 ss:$0x81] =	vst.msk $0xffff, v0  }
0x54: {  	v0 =	vunpack.i.u.s16.s32 v12;
	v1 =	vunpack.i.l.s16.s32 v12;
	v5 =	vld [tilespmem:s20+$0x30];
	[tilespmem:s16+$0x3870 ss:$0x81] =	vst.msk $0xffff, v4;
	v4 =	vpack.i.b32.b16 v13, v8  }
0x55: {  	v8 =	vunpack.i.u.s16.s32 v10;
	v10 =	vunpack.i.l.s16.s32 v10;
	v12 =	vunpack.i.u.s16.s32 v7;
	v13 =	vld [tilespmem:s20+$0xFFFFE040];
	[tilespmem:s16+$0x3871 ss:$0x81] =	vst.msk $0xffff, v4  }
0x56: {  	v4 =	vunpack.i.l.s16.s32 v7;
	v7 =	vunpack.i.u.s16.s32 v9;
	v9 =	vunpack.i.l.s16.s32 v9;
	v14 =	vld [tilespmem:s20+$0x40];
	[tilespmem:s18+$0x3060 ss:$0x81] =	vst.msk $0xffff, v2  }
.Ltmp3:
0x57: {  	v2 =	vpack.i.b32.b16 v4, v10;
	v10 =	vunpack.i.u.s16.s32 v3;
	v3 =	vunpack.i.l.s16.s32 v3;
	v4 =	vld [tilespmem:s20+$0xFFFFE050];
	[tilespmem:s18+$0x3061 ss:$0x81] =	vst.msk $0xffff, v6;
	s18 =	smov.u32 s16;
	(pc) =	sbr.rel @p1 .LBB1_3-.Ltmp3, $4  }
0x58: {  	[tilespmem:s16+$0x810 ss:$0x81] =	vst.msk $0xffff, v2;
	v2 =	vpack.i.b32.b16 v12, v8;
	v8 =	vunpack.i.u.s16.s32 v11;
	v12 =	vunpack.i.l.s16.s32 v11;
	v6 =	vld [tilespmem:s20+$0x50]  }
0x59: {  	v3 =	vpack.i.b32.b16 v3, v9;
	[tilespmem:s16+$0x811 ss:$0x81] =	vst.msk $0xffff, v2;
	v9 =	vunpack.i.u.s16.s32 v5;
	v15 =	vunpack.i.l.s16.s32 v5;
	v2 =	vld [tilespmem:s20+$0xFFFFE060]  }
0x5a: {  	v10 =	vpack.i.b32.b16 v10, v7;
	[tilespmem:s16+$0x1020 ss:$0x81] =	vst.msk $0xffff, v3;
	v7 =	vunpack.i.u.s16.s32 v13;
	v11 =	vunpack.i.l.s16.s32 v13;
	v3 =	vld [tilespmem:s20+$0x60]  }
0x5b: {  	v13 =	vpack.i.b32.b16 v15, v12;
	v5 =	vld [tilespmem:s20+$0xFFFFE000];
	[tilespmem:s16+$0x1021 ss:$0x81] =	vst.msk $0xffff, v10;
	v10 =	vunpack.i.u.s16.s32 v14;
	v12 =	vunpack.i.l.s16.s32 v14;
	s20 =	sadd.s32 $0x80, s20  }
.Ltmp4:
0x5c: {  	_ = 	snop;
	(pc) =	sbr.rel .LBB1_4-.Ltmp4, $1  }
0x5d: {  	_ =	sdelay $0x3  }
.LBB1_6:
0x5e: {  	_ =	sfence.sel $0x180000  }
0x5f: {  	s2 =	simm.s32 $0x1;
	[bflag:$0x0] =	sbarrier.arrive $0xFFFF  }
0x60: {  	s31 =	simm.s32 $0x2;
	[sflag:s2] =	ssyncpa.u1 $0x1  }
0x61: {  	[sflag:s31] =	ssyncpa.u1 $0x1  }
0x62: {  	p0 =	sne.s32 s0, $0x0;
	_ =	strace $0x9000004A  }
0x63: {  	s0 =	sadd.s32 @!p0 $0x100000, s1;
	[bflag:$0x2] =	sbarrier.arrive $0xFFFF  }
0x64: {  	[sflag:s0] =	ssyncadd.tile.s32 @!p0 $0x1;
	_ =	shalt  }
.Lfunc_end1:
_tile_overlayer_lowered:
.L_overlay_start_2:
0x65: {  	(tag) =	ssettag $0x2  }
0x66: {  	s0 =	rddreg [dreg:$0x0];
	s2 =	stileid.u32  }
0x67: {  	s1 =	rddreg [dreg:$0x1];
	p0 =	sne.s32 s2, $0x0  }
0x68: {  	s3 =	rddreg [dreg:$0x2];
	[bflag:$0x3] =	sbarrier.arrive $0xFFFF;
	s2 =	simm.s32 @!p0 $0x1C01  }
0x69: {  	[timem:s3], [sflag:s2] =	dma.local @!p0 [hbm:s0], s1  }
0x6a: {  	s0 =	simm.s32 @!p0 $0x1  }
0x6b: {  	_ =	swait.ge @!p0 [sflag:s0], s1  }
0x6c: {  	s1 =	ssub.s32 @!p0 $0x0, s1;
	[sflag:s0] =	ssyncset.done @!p0 $0x0  }
0x6d: {  	[sflag:s0] =	ssyncadd.s32 @!p0 s1  }
0x6e: {  	[bflag:$0x3] =	sbarrier.arrive $0xFFFF  }
0x6f: {  	_ =	shalt  }

</sc_bundles>
